<compile_context>
chip_gen: v7x
topology: tpu7x:2x2x1
jax: 0.10.2.dev20260603
libtpu: 0.0.44.dev20260713+nightly
codegen_flags: <defaults>
</compile_context>

<pallas_src>
import functools

import jax
import jax.numpy as jnp
from jax import lax
from jax.experimental import pallas as pl
from jax.experimental.pallas import tpu as pltpu
from jax.experimental.pallas import tpu_sc as plsc

NC, NS = 2, 16
NW = NC * NS


def kernel(indices, weights, table):
    B, L = indices.shape
    V, D = table.shape
    assert D == 32 and B % NW == 0
    SPW = B // NW
    CH = 32
    assert SPW % CH == 0
    NCHUNK = SPW // CH
    IPC = CH * L
    GSUB = 80
    assert IPC % GSUB == 0 and GSUB % 8 == 0
    NG = IPC // GSUB

    idx_flat = indices.reshape(B * L)
    w_flat = weights.reshape(B * L)

    mesh = plsc.VectorSubcoreMesh(core_axis_name="c", subcore_axis_name="s")

    @functools.partial(
        pl.kernel,
        mesh=mesh,
        out_type=jax.ShapeDtypeStruct((B, D), jnp.float32),
        compiler_params=pltpu.CompilerParams(use_tc_tiling_on_sc=False),
        scratch_types=[
            pltpu.VMEM((IPC,), jnp.int32),
            pltpu.VMEM((IPC + 16,), jnp.float32),
            pltpu.VMEM((IPC, D), jnp.float32),
            pltpu.VMEM((CH, D), jnp.float32),
            pltpu.SemaphoreType.DMA,
        ],
    )
    def sc_kernel(idx_hbm, w_hbm, table_hbm, out_hbm, idx_v, w_v, rows_v,
                  out_v, gsem):
        wid = lax.axis_index("s") * NC + lax.axis_index("c")
        base = wid * SPW * L

        def chunk_body(ci, carry):
            off = base + ci * IPC
            pltpu.sync_copy(idx_hbm.at[pl.ds(off, IPC)], idx_v)
            pltpu.sync_copy(w_hbm.at[pl.ds(off, IPC)], w_v.at[pl.ds(0, IPC)])
            copies = []
            for g in range(NG):
                copies.append(pltpu.async_copy(
                    table_hbm.at[idx_v.at[pl.ds(g * GSUB, GSUB)]],
                    rows_v.at[pl.ds(g * GSUB, GSUB)],
                    gsem,
                ))
            for c in copies:
                c.wait()

            def sample_body(s, carry2):
                jbase = s * L
                a0 = jnp.zeros((16,), jnp.float32)
                a1 = jnp.zeros((16,), jnp.float32)
                for lg in range((L + 15) // 16):
                    cnt = min(16, L - lg * 16)
                    wvec = w_v[pl.ds(jbase + lg * 16, 16)]
                    for i in range(cnt):
                        w = jnp.broadcast_to(wvec[i], (16,))
                        j = jbase + lg * 16 + i
                        r0 = rows_v[j, pl.ds(0, 16)]
                        r1 = rows_v[j, pl.ds(16, 16)]
                        a0 = a0 + w * r0
                        a1 = a1 + w * r1
                out_v[s, pl.ds(0, 16)] = a0
                out_v[s, pl.ds(16, 16)] = a1
                return carry2

            lax.fori_loop(0, CH, sample_body, 0)
            pltpu.sync_copy(out_v, out_hbm.at[pl.ds(wid * SPW + ci * CH, CH)])
            return carry

        lax.fori_loop(0, NCHUNK, chunk_body, 0)

    return sc_kernel(idx_flat, w_flat, table)

# --- scband reference (transcript-rebuilt; emitter-appended) ---
"""Pipeline reference for scband-sparse-core-embed-21388937134735 (READ-ONLY COPY).

The authoritative reference and input builder live on the scoring server;
editing this copy changes nothing except your own understanding.
"""

import jax, jax.numpy as jnp
import numpy as np

BATCH = 16384
HIST = 50
VOCAB = 1000000
EMBED_DIM = 32


def setup_inputs(seed: int = 0) -> dict:
    key = jax.random.key(seed)
    k1, k2, k3 = jax.random.split(key, 3)
    indices = jax.random.randint(k1, (BATCH, HIST), 0, VOCAB, dtype=jnp.int64 if jax.config.jax_enable_x64 else jnp.int32).astype(jnp.int32)
    weights = jax.random.uniform(k2, (BATCH, HIST), dtype=jnp.float32)
    # learned parameter: the embedding table (row-sharded on SparseCore in the original)
    table = jax.random.normal(k3, (VOCAB, EMBED_DIM), dtype=jnp.float32) * 0.02
    return {"indices": indices, "weights": weights, "table": table}


def reference(indices, weights, table):
    # Faithful math of tpu_sparse_dense_matmul with 'sum' combiner:
    # for each sample b, activation = sum_l weights[b, l] * table[indices[b, l]]
    emb = jnp.take(table, indices, axis=0)            # [B, L, D] gather (SparseCore lookup)
    out = jnp.sum(emb * weights[..., None], axis=1)   # weighted-sum combine -> [B, D]
    return out

if __name__ == "__main__":
    import jax
    _d = setup_inputs()
    print(jax.jit(kernel)(*tuple(_d.values())))

</pallas_src>

<mosaic_0001>
#map = affine_map<(d0, d1) -> (0)>
#map1 = affine_map<(d0, d1) -> (0, 0)>
module attributes {stable_mosaic.version = 14 : i64} {
  func.func @sc_kernel(%arg0: i32, %arg1: i32, %arg2: memref<819200xi32, #tpu.memory_space<hbm>>, %arg3: memref<819200xf32, #tpu.memory_space<hbm>>, %arg4: memref<1000000x32xf32, #tpu.memory_space<hbm>>, %arg5: memref<16384x32xf32, #tpu.memory_space<hbm>>, %arg6: memref<1600xi32, #tpu.memory_space<vmem>>, %arg7: memref<1616xf32, #tpu.memory_space<vmem>>, %arg8: memref<1600x32xf32, #tpu.memory_space<vmem>>, %arg9: memref<32x32xf32, #tpu.memory_space<vmem>>, %arg10: memref<!tpu.dma_semaphore, #tpu.memory_space<semaphore_mem>>) attributes {dimension_semantics = [#tpu.dimension_semantics<core_parallel>, #tpu.dimension_semantics<subcore_parallel>], iteration_bounds = array<i64: 2, 16>, scalar_prefetch = 0 : i64, scratch_operands = 5 : i64, tpu.core_type = #tpu.core_type<sc_vector_subcore>, window_params = [{transform_indices = #map}, {transform_indices = #map}, {transform_indices = #map1}, {transform_indices = #map1}]} {
    %mul3A = arith.constant 2 : i32
    %mul3A_0 = arith.muli %arg1, %mul3A : i32
    %add3A = arith.addi %mul3A_0, %arg0 : i32
    %mul3A_1 = arith.constant 512 : i32
    %mul3A_2 = arith.muli %add3A, %mul3A_1 : i32
    %mul3A_3 = arith.constant 50 : i32
    %mul3A_4 = arith.muli %mul3A_2, %mul3A_3 : i32
    %scan3A = arith.constant 0 : i32
    %scan3A_5 = arith.constant 0 : i32
    %scan3A_6 = arith.constant 16 : i32
    %scan3A_7 = arith.addi %scan3A_5, %scan3A_6 : i32
    %scan3A_8 = arith.constant 1 : i32
    scf.for %scan3A_10 = %scan3A_5 to %scan3A_7 step %scan3A_8  : i32 {
      %mul3A_11 = arith.constant 1600 : i32
      %mul3A_12 = arith.muli %scan3A_10, %mul3A_11 : i32
      %add3A_13 = arith.addi %mul3A_4, %mul3A_12 : i32
      "tpu.region"() ({
        %run_scoped3A = tpu.sem_alloc : memref<!tpu.dma_semaphore, #tpu.memory_space<semaphore_mem>>
        %dma_start3A_343 = tpu.memref_slice %arg2[%add3A_13] : memref<819200xi32, #tpu.memory_space<hbm>> -> memref<1600xi32, #tpu.memory_space<hbm>>
        %dma_start3A_344 = tpu.memref_slice %arg2[%add3A_13] : memref<819200xi32, #tpu.memory_space<hbm>> -> memref<1600xi32, #tpu.memory_space<hbm>>
        tpu.enqueue_dma source(%dma_start3A_344 : memref<1600xi32, #tpu.memory_space<hbm>>) target(%arg6 : memref<1600xi32, #tpu.memory_space<vmem>>) target_semaphore(%run_scoped3A : memref<!tpu.dma_semaphore, #tpu.memory_space<semaphore_mem>>)
        %dma_wait3A_345 = tpu.memref_slice %arg2[%add3A_13] : memref<819200xi32, #tpu.memory_space<hbm>> -> memref<1600xi32, #tpu.memory_space<hbm>>
        %dma_wait3A_346 = tpu.memref_slice %arg2[%add3A_13] : memref<819200xi32, #tpu.memory_space<hbm>> -> memref<1600xi32, #tpu.memory_space<hbm>>
        tpu.wait_dma2 semaphore(%run_scoped3A : memref<!tpu.dma_semaphore, #tpu.memory_space<semaphore_mem>>) src(%dma_wait3A_346 : memref<1600xi32, #tpu.memory_space<hbm>>) dst(%arg6 : memref<1600xi32, #tpu.memory_space<vmem>>)
        tpu.yield
      }) : () -> ()
      "tpu.region"() ({
        %run_scoped3A = tpu.sem_alloc : memref<!tpu.dma_semaphore, #tpu.memory_space<semaphore_mem>>
        %dma_start3A_343 = arith.constant 0 : i32
        %dma_start3A_344 = tpu.memref_slice %arg7[%dma_start3A_343] : memref<1616xf32, #tpu.memory_space<vmem>> -> memref<1600xf32, #tpu.memory_space<vmem>>
        %dma_start3A_345 = tpu.memref_slice %arg3[%add3A_13] : memref<819200xf32, #tpu.memory_space<hbm>> -> memref<1600xf32, #tpu.memory_space<hbm>>
        %dma_start3A_346 = arith.constant 0 : i32
        %dma_start3A_347 = tpu.memref_slice %arg7[%dma_start3A_346] : memref<1616xf32, #tpu.memory_space<vmem>> -> memref<1600xf32, #tpu.memory_space<vmem>>
        %dma_start3A_348 = tpu.memref_slice %arg3[%add3A_13] : memref<819200xf32, #tpu.memory_space<hbm>> -> memref<1600xf32, #tpu.memory_space<hbm>>
        tpu.enqueue_dma source(%dma_start3A_348 : memref<1600xf32, #tpu.memory_space<hbm>>) target(%dma_start3A_347 : memref<1600xf32, #tpu.memory_space<vmem>>) target_semaphore(%run_scoped3A : memref<!tpu.dma_semaphore, #tpu.memory_space<semaphore_mem>>)
        %dma_wait3A_349 = arith.constant 0 : i32
        %dma_wait3A_350 = tpu.memref_slice %arg7[%dma_wait3A_349] : memref<1616xf32, #tpu.memory_space<vmem>> -> memref<1600xf32, #tpu.memory_space<vmem>>
        %dma_wait3A_351 = tpu.memref_slice %arg3[%add3A_13] : memref<819200xf32, #tpu.memory_space<hbm>> -> memref<1600xf32, #tpu.memory_space<hbm>>
        %dma_wait3A_352 = arith.constant 0 : i32
        %dma_wait3A_353 = tpu.memref_slice %arg7[%dma_wait3A_352] : memref<1616xf32, #tpu.memory_space<vmem>> -> memref<1600xf32, #tpu.memory_space<vmem>>
        %dma_wait3A_354 = tpu.memref_slice %arg3[%add3A_13] : memref<819200xf32, #tpu.memory_space<hbm>> -> memref<1600xf32, #tpu.memory_space<hbm>>
        tpu.wait_dma2 semaphore(%run_scoped3A : memref<!tpu.dma_semaphore, #tpu.memory_space<semaphore_mem>>) src(%dma_wait3A_354 : memref<1600xf32, #tpu.memory_space<hbm>>) dst(%dma_wait3A_353 : memref<1600xf32, #tpu.memory_space<vmem>>)
        tpu.yield
      }) : () -> ()
      %dma_start3A = arith.constant 0 : i32
      %dma_start3A_14 = arith.constant 0 : i32
      %dma_start3A_15 = tpu.memref_slice %arg8[%dma_start3A, %dma_start3A_14] : memref<1600x32xf32, #tpu.memory_space<vmem>> -> memref<80x32xf32, #tpu.memory_space<vmem>>
      %dma_start3A_16 = arith.constant 0 : i32
      %dma_start3A_17 = tpu.memref_slice %arg6[%dma_start3A_16] : memref<1600xi32, #tpu.memory_space<vmem>> -> memref<80xi32, #tpu.memory_space<vmem>>
      %dma_start3A_18 = arith.constant 0 : i32
      %dma_start3A_19 = arith.constant 0 : i32
      %dma_start3A_20 = tpu.memref_slice %arg4[%dma_start3A_18, %dma_start3A_19] : memref<1000000x32xf32, #tpu.memory_space<hbm>> -> memref<1000000x32xf32, #tpu.memory_space<hbm>>
      tpu.enqueue_indirect_dma source(%dma_start3A_20 : memref<1000000x32xf32, #tpu.memory_space<hbm>>) target(%dma_start3A_15 : memref<80x32xf32, #tpu.memory_space<vmem>>) offsets(%dma_start3A_17 : memref<80xi32, #tpu.memory_space<vmem>>) semaphore(%arg10 : memref<!tpu.dma_semaphore, #tpu.memory_space<semaphore_mem>>)
      %dma_start3A_21 = arith.constant 80 : i32
      %dma_start3A_22 = arith.constant 0 : i32
      %dma_start3A_23 = tpu.memref_slice %arg8[%dma_start3A_21, %dma_start3A_22] : memref<1600x32xf32, #tpu.memory_space<vmem>> -> memref<80x32xf32, #tpu.memory_space<vmem>>
      %dma_start3A_24 = arith.constant 80 : i32
      %dma_start3A_25 = tpu.memref_slice %arg6[%dma_start3A_24] : memref<1600xi32, #tpu.memory_space<vmem>> -> memref<80xi32, #tpu.memory_space<vmem>>
      %dma_start3A_26 = arith.constant 0 : i32
      %dma_start3A_27 = arith.constant 0 : i32
      %dma_start3A_28 = tpu.memref_slice %arg4[%dma_start3A_26, %dma_start3A_27] : memref<1000000x32xf32, #tpu.memory_space<hbm>> -> memref<1000000x32xf32, #tpu.memory_space<hbm>>
      tpu.enqueue_indirect_dma source(%dma_start3A_28 : memref<1000000x32xf32, #tpu.memory_space<hbm>>) target(%dma_start3A_23 : memref<80x32xf32, #tpu.memory_space<vmem>>) offsets(%dma_start3A_25 : memref<80xi32, #tpu.memory_space<vmem>>) semaphore(%arg10 : memref<!tpu.dma_semaphore, #tpu.memory_space<semaphore_mem>>)
      %dma_start3A_29 = arith.constant 160 : i32
      %dma_start3A_30 = arith.constant 0 : i32
      %dma_start3A_31 = tpu.memref_slice %arg8[%dma_start3A_29, %dma_start3A_30] : memref<1600x32xf32, #tpu.memory_space<vmem>> -> memref<80x32xf32, #tpu.memory_space<vmem>>
      %dma_start3A_32 = arith.constant 160 : i32
      %dma_start3A_33 = tpu.memref_slice %arg6[%dma_start3A_32] : memref<1600xi32, #tpu.memory_space<vmem>> -> memref<80xi32, #tpu.memory_space<vmem>>
      %dma_start3A_34 = arith.constant 0 : i32
      %dma_start3A_35 = arith.constant 0 : i32
      %dma_start3A_36 = tpu.memref_slice %arg4[%dma_start3A_34, %dma_start3A_35] : memref<1000000x32xf32, #tpu.memory_space<hbm>> -> memref<1000000x32xf32, #tpu.memory_space<hbm>>
      tpu.enqueue_indirect_dma source(%dma_start3A_36 : memref<1000000x32xf32, #tpu.memory_space<hbm>>) target(%dma_start3A_31 : memref<80x32xf32, #tpu.memory_space<vmem>>) offsets(%dma_start3A_33 : memref<80xi32, #tpu.memory_space<vmem>>) semaphore(%arg10 : memref<!tpu.dma_semaphore, #tpu.memory_space<semaphore_mem>>)
      %dma_start3A_37 = arith.constant 240 : i32
      %dma_start3A_38 = arith.constant 0 : i32
      %dma_start3A_39 = tpu.memref_slice %arg8[%dma_start3A_37, %dma_start3A_38] : memref<1600x32xf32, #tpu.memory_space<vmem>> -> memref<80x32xf32, #tpu.memory_space<vmem>>
      %dma_start3A_40 = arith.constant 240 : i32
      %dma_start3A_41 = tpu.memref_slice %arg6[%dma_start3A_40] : memref<1600xi32, #tpu.memory_space<vmem>> -> memref<80xi32, #tpu.memory_space<vmem>>
      %dma_start3A_42 = arith.constant 0 : i32
      %dma_start3A_43 = arith.constant 0 : i32
      %dma_start3A_44 = tpu.memref_slice %arg4[%dma_start3A_42, %dma_start3A_43] : memref<1000000x32xf32, #tpu.memory_space<hbm>> -> memref<1000000x32xf32, #tpu.memory_space<hbm>>
      tpu.enqueue_indirect_dma source(%dma_start3A_44 : memref<1000000x32xf32, #tpu.memory_space<hbm>>) target(%dma_start3A_39 : memref<80x32xf32, #tpu.memory_space<vmem>>) offsets(%dma_start3A_41 : memref<80xi32, #tpu.memory_space<vmem>>) semaphore(%arg10 : memref<!tpu.dma_semaphore, #tpu.memory_space<semaphore_mem>>)
      %dma_start3A_45 = arith.constant 320 : i32
      %dma_start3A_46 = arith.constant 0 : i32
      %dma_start3A_47 = tpu.memref_slice %arg8[%dma_start3A_45, %dma_start3A_46] : memref<1600x32xf32, #tpu.memory_space<vmem>> -> memref<80x32xf32, #tpu.memory_space<vmem>>
      %dma_start3A_48 = arith.constant 320 : i32
      %dma_start3A_49 = tpu.memref_slice %arg6[%dma_start3A_48] : memref<1600xi32, #tpu.memory_space<vmem>> -> memref<80xi32, #tpu.memory_space<vmem>>
      %dma_start3A_50 = arith.constant 0 : i32
      %dma_start3A_51 = arith.constant 0 : i32
      %dma_start3A_52 = tpu.memref_slice %arg4[%dma_start3A_50, %dma_start3A_51] : memref<1000000x32xf32, #tpu.memory_space<hbm>> -> memref<1000000x32xf32, #tpu.memory_space<hbm>>
      tpu.enqueue_indirect_dma source(%dma_start3A_52 : memref<1000000x32xf32, #tpu.memory_space<hbm>>) target(%dma_start3A_47 : memref<80x32xf32, #tpu.memory_space<vmem>>) offsets(%dma_start3A_49 : memref<80xi32, #tpu.memory_space<vmem>>) semaphore(%arg10 : memref<!tpu.dma_semaphore, #tpu.memory_space<semaphore_mem>>)
      %dma_start3A_53 = arith.constant 400 : i32
      %dma_start3A_54 = arith.constant 0 : i32
      %dma_start3A_55 = tpu.memref_slice %arg8[%dma_start3A_53, %dma_start3A_54] : memref<1600x32xf32, #tpu.memory_space<vmem>> -> memref<80x32xf32, #tpu.memory_space<vmem>>
      %dma_start3A_56 = arith.constant 400 : i32
      %dma_start3A_57 = tpu.memref_slice %arg6[%dma_start3A_56] : memref<1600xi32, #tpu.memory_space<vmem>> -> memref<80xi32, #tpu.memory_space<vmem>>
      %dma_start3A_58 = arith.constant 0 : i32
      %dma_start3A_59 = arith.constant 0 : i32
      %dma_start3A_60 = tpu.memref_slice %arg4[%dma_start3A_58, %dma_start3A_59] : memref<1000000x32xf32, #tpu.memory_space<hbm>> -> memref<1000000x32xf32, #tpu.memory_space<hbm>>
      tpu.enqueue_indirect_dma source(%dma_start3A_60 : memref<1000000x32xf32, #tpu.memory_space<hbm>>) target(%dma_start3A_55 : memref<80x32xf32, #tpu.memory_space<vmem>>) offsets(%dma_start3A_57 : memref<80xi32, #tpu.memory_space<vmem>>) semaphore(%arg10 : memref<!tpu.dma_semaphore, #tpu.memory_space<semaphore_mem>>)
      %dma_start3A_61 = arith.constant 480 : i32
      %dma_start3A_62 = arith.constant 0 : i32
      %dma_start3A_63 = tpu.memref_slice %arg8[%dma_start3A_61, %dma_start3A_62] : memref<1600x32xf32, #tpu.memory_space<vmem>> -> memref<80x32xf32, #tpu.memory_space<vmem>>
      %dma_start3A_64 = arith.constant 480 : i32
      %dma_start3A_65 = tpu.memref_slice %arg6[%dma_start3A_64] : memref<1600xi32, #tpu.memory_space<vmem>> -> memref<80xi32, #tpu.memory_space<vmem>>
      %dma_start3A_66 = arith.constant 0 : i32
      %dma_start3A_67 = arith.constant 0 : i32
      %dma_start3A_68 = tpu.memref_slice %arg4[%dma_start3A_66, %dma_start3A_67] : memref<1000000x32xf32, #tpu.memory_space<hbm>> -> memref<1000000x32xf32, #tpu.memory_space<hbm>>
      tpu.enqueue_indirect_dma source(%dma_start3A_68 : memref<1000000x32xf32, #tpu.memory_space<hbm>>) target(%dma_start3A_63 : memref<80x32xf32, #tpu.memory_space<vmem>>) offsets(%dma_start3A_65 : memref<80xi32, #tpu.memory_space<vmem>>) semaphore(%arg10 : memref<!tpu.dma_semaphore, #tpu.memory_space<semaphore_mem>>)
      %dma_start3A_69 = arith.constant 560 : i32
      %dma_start3A_70 = arith.constant 0 : i32
      %dma_start3A_71 = tpu.memref_slice %arg8[%dma_start3A_69, %dma_start3A_70] : memref<1600x32xf32, #tpu.memory_space<vmem>> -> memref<80x32xf32, #tpu.memory_space<vmem>>
      %dma_start3A_72 = arith.constant 560 : i32
      %dma_start3A_73 = tpu.memref_slice %arg6[%dma_start3A_72] : memref<1600xi32, #tpu.memory_space<vmem>> -> memref<80xi32, #tpu.memory_space<vmem>>
      %dma_start3A_74 = arith.constant 0 : i32
      %dma_start3A_75 = arith.constant 0 : i32
      %dma_start3A_76 = tpu.memref_slice %arg4[%dma_start3A_74, %dma_start3A_75] : memref<1000000x32xf32, #tpu.memory_space<hbm>> -> memref<1000000x32xf32, #tpu.memory_space<hbm>>
      tpu.enqueue_indirect_dma source(%dma_start3A_76 : memref<1000000x32xf32, #tpu.memory_space<hbm>>) target(%dma_start3A_71 : memref<80x32xf32, #tpu.memory_space<vmem>>) offsets(%dma_start3A_73 : memref<80xi32, #tpu.memory_space<vmem>>) semaphore(%arg10 : memref<!tpu.dma_semaphore, #tpu.memory_space<semaphore_mem>>)
      %dma_start3A_77 = arith.constant 640 : i32
      %dma_start3A_78 = arith.constant 0 : i32
      %dma_start3A_79 = tpu.memref_slice %arg8[%dma_start3A_77, %dma_start3A_78] : memref<1600x32xf32, #tpu.memory_space<vmem>> -> memref<80x32xf32, #tpu.memory_space<vmem>>
      %dma_start3A_80 = arith.constant 640 : i32
      %dma_start3A_81 = tpu.memref_slice %arg6[%dma_start3A_80] : memref<1600xi32, #tpu.memory_space<vmem>> -> memref<80xi32, #tpu.memory_space<vmem>>
      %dma_start3A_82 = arith.constant 0 : i32
      %dma_start3A_83 = arith.constant 0 : i32
      %dma_start3A_84 = tpu.memref_slice %arg4[%dma_start3A_82, %dma_start3A_83] : memref<1000000x32xf32, #tpu.memory_space<hbm>> -> memref<1000000x32xf32, #tpu.memory_space<hbm>>
      tpu.enqueue_indirect_dma source(%dma_start3A_84 : memref<1000000x32xf32, #tpu.memory_space<hbm>>) target(%dma_start3A_79 : memref<80x32xf32, #tpu.memory_space<vmem>>) offsets(%dma_start3A_81 : memref<80xi32, #tpu.memory_space<vmem>>) semaphore(%arg10 : memref<!tpu.dma_semaphore, #tpu.memory_space<semaphore_mem>>)
      %dma_start3A_85 = arith.constant 720 : i32
      %dma_start3A_86 = arith.constant 0 : i32
      %dma_start3A_87 = tpu.memref_slice %arg8[%dma_start3A_85, %dma_start3A_86] : memref<1600x32xf32, #tpu.memory_space<vmem>> -> memref<80x32xf32, #tpu.memory_space<vmem>>
      %dma_start3A_88 = arith.constant 720 : i32
      %dma_start3A_89 = tpu.memref_slice %arg6[%dma_start3A_88] : memref<1600xi32, #tpu.memory_space<vmem>> -> memref<80xi32, #tpu.memory_space<vmem>>
      %dma_start3A_90 = arith.constant 0 : i32
      %dma_start3A_91 = arith.constant 0 : i32
      %dma_start3A_92 = tpu.memref_slice %arg4[%dma_start3A_90, %dma_start3A_91] : memref<1000000x32xf32, #tpu.memory_space<hbm>> -> memref<1000000x32xf32, #tpu.memory_space<hbm>>
      tpu.enqueue_indirect_dma source(%dma_start3A_92 : memref<1000000x32xf32, #tpu.memory_space<hbm>>) target(%dma_start3A_87 : memref<80x32xf32, #tpu.memory_space<vmem>>) offsets(%dma_start3A_89 : memref<80xi32, #tpu.memory_space<vmem>>) semaphore(%arg10 : memref<!tpu.dma_semaphore, #tpu.memory_space<semaphore_mem>>)
      %dma_start3A_93 = arith.constant 800 : i32
      %dma_start3A_94 = arith.constant 0 : i32
      %dma_start3A_95 = tpu.memref_slice %arg8[%dma_start3A_93, %dma_start3A_94] : memref<1600x32xf32, #tpu.memory_space<vmem>> -> memref<80x32xf32, #tpu.memory_space<vmem>>
      %dma_start3A_96 = arith.constant 800 : i32
      %dma_start3A_97 = tpu.memref_slice %arg6[%dma_start3A_96] : memref<1600xi32, #tpu.memory_space<vmem>> -> memref<80xi32, #tpu.memory_space<vmem>>
      %dma_start3A_98 = arith.constant 0 : i32
      %dma_start3A_99 = arith.constant 0 : i32
      %dma_start3A_100 = tpu.memref_slice %arg4[%dma_start3A_98, %dma_start3A_99] : memref<1000000x32xf32, #tpu.memory_space<hbm>> -> memref<1000000x32xf32, #tpu.memory_space<hbm>>
      tpu.enqueue_indirect_dma source(%dma_start3A_100 : memref<1000000x32xf32, #tpu.memory_space<hbm>>) target(%dma_start3A_95 : memref<80x32xf32, #tpu.memory_space<vmem>>) offsets(%dma_start3A_97 : memref<80xi32, #tpu.memory_space<vmem>>) semaphore(%arg10 : memref<!tpu.dma_semaphore, #tpu.memory_space<semaphore_mem>>)
      %dma_start3A_101 = arith.constant 880 : i32
      %dma_start3A_102 = arith.constant 0 : i32
      %dma_start3A_103 = tpu.memref_slice %arg8[%dma_start3A_101, %dma_start3A_102] : memref<1600x32xf32, #tpu.memory_space<vmem>> -> memref<80x32xf32, #tpu.memory_space<vmem>>
      %dma_start3A_104 = arith.constant 880 : i32
      %dma_start3A_105 = tpu.memref_slice %arg6[%dma_start3A_104] : memref<1600xi32, #tpu.memory_space<vmem>> -> memref<80xi32, #tpu.memory_space<vmem>>
      %dma_start3A_106 = arith.constant 0 : i32
      %dma_start3A_107 = arith.constant 0 : i32
      %dma_start3A_108 = tpu.memref_slice %arg4[%dma_start3A_106, %dma_start3A_107] : memref<1000000x32xf32, #tpu.memory_space<hbm>> -> memref<1000000x32xf32, #tpu.memory_space<hbm>>
      tpu.enqueue_indirect_dma source(%dma_start3A_108 : memref<1000000x32xf32, #tpu.memory_space<hbm>>) target(%dma_start3A_103 : memref<80x32xf32, #tpu.memory_space<vmem>>) offsets(%dma_start3A_105 : memref<80xi32, #tpu.memory_space<vmem>>) semaphore(%arg10 : memref<!tpu.dma_semaphore, #tpu.memory_space<semaphore_mem>>)
      %dma_start3A_109 = arith.constant 960 : i32
      %dma_start3A_110 = arith.constant 0 : i32
      %dma_start3A_111 = tpu.memref_slice %arg8[%dma_start3A_109, %dma_start3A_110] : memref<1600x32xf32, #tpu.memory_space<vmem>> -> memref<80x32xf32, #tpu.memory_space<vmem>>
      %dma_start3A_112 = arith.constant 960 : i32
      %dma_start3A_113 = tpu.memref_slice %arg6[%dma_start3A_112] : memref<1600xi32, #tpu.memory_space<vmem>> -> memref<80xi32, #tpu.memory_space<vmem>>
      %dma_start3A_114 = arith.constant 0 : i32
      %dma_start3A_115 = arith.constant 0 : i32
      %dma_start3A_116 = tpu.memref_slice %arg4[%dma_start3A_114, %dma_start3A_115] : memref<1000000x32xf32, #tpu.memory_space<hbm>> -> memref<1000000x32xf32, #tpu.memory_space<hbm>>
      tpu.enqueue_indirect_dma source(%dma_start3A_116 : memref<1000000x32xf32, #tpu.memory_space<hbm>>) target(%dma_start3A_111 : memref<80x32xf32, #tpu.memory_space<vmem>>) offsets(%dma_start3A_113 : memref<80xi32, #tpu.memory_space<vmem>>) semaphore(%arg10 : memref<!tpu.dma_semaphore, #tpu.memory_space<semaphore_mem>>)
      %dma_start3A_117 = arith.constant 1040 : i32
      %dma_start3A_118 = arith.constant 0 : i32
      %dma_start3A_119 = tpu.memref_slice %arg8[%dma_start3A_117, %dma_start3A_118] : memref<1600x32xf32, #tpu.memory_space<vmem>> -> memref<80x32xf32, #tpu.memory_space<vmem>>
      %dma_start3A_120 = arith.constant 1040 : i32
      %dma_start3A_121 = tpu.memref_slice %arg6[%dma_start3A_120] : memref<1600xi32, #tpu.memory_space<vmem>> -> memref<80xi32, #tpu.memory_space<vmem>>
      %dma_start3A_122 = arith.constant 0 : i32
      %dma_start3A_123 = arith.constant 0 : i32
      %dma_start3A_124 = tpu.memref_slice %arg4[%dma_start3A_122, %dma_start3A_123] : memref<1000000x32xf32, #tpu.memory_space<hbm>> -> memref<1000000x32xf32, #tpu.memory_space<hbm>>
      tpu.enqueue_indirect_dma source(%dma_start3A_124 : memref<1000000x32xf32, #tpu.memory_space<hbm>>) target(%dma_start3A_119 : memref<80x32xf32, #tpu.memory_space<vmem>>) offsets(%dma_start3A_121 : memref<80xi32, #tpu.memory_space<vmem>>) semaphore(%arg10 : memref<!tpu.dma_semaphore, #tpu.memory_space<semaphore_mem>>)
      %dma_start3A_125 = arith.constant 1120 : i32
      %dma_start3A_126 = arith.constant 0 : i32
      %dma_start3A_127 = tpu.memref_slice %arg8[%dma_start3A_125, %dma_start3A_126] : memref<1600x32xf32, #tpu.memory_space<vmem>> -> memref<80x32xf32, #tpu.memory_space<vmem>>
      %dma_start3A_128 = arith.constant 1120 : i32
      %dma_start3A_129 = tpu.memref_slice %arg6[%dma_start3A_128] : memref<1600xi32, #tpu.memory_space<vmem>> -> memref<80xi32, #tpu.memory_space<vmem>>
      %dma_start3A_130 = arith.constant 0 : i32
      %dma_start3A_131 = arith.constant 0 : i32
      %dma_start3A_132 = tpu.memref_slice %arg4[%dma_start3A_130, %dma_start3A_131] : memref<1000000x32xf32, #tpu.memory_space<hbm>> -> memref<1000000x32xf32, #tpu.memory_space<hbm>>
      tpu.enqueue_indirect_dma source(%dma_start3A_132 : memref<1000000x32xf32, #tpu.memory_space<hbm>>) target(%dma_start3A_127 : memref<80x32xf32, #tpu.memory_space<vmem>>) offsets(%dma_start3A_129 : memref<80xi32, #tpu.memory_space<vmem>>) semaphore(%arg10 : memref<!tpu.dma_semaphore, #tpu.memory_space<semaphore_mem>>)
      %dma_start3A_133 = arith.constant 1200 : i32
      %dma_start3A_134 = arith.constant 0 : i32
      %dma_start3A_135 = tpu.memref_slice %arg8[%dma_start3A_133, %dma_start3A_134] : memref<1600x32xf32, #tpu.memory_space<vmem>> -> memref<80x32xf32, #tpu.memory_space<vmem>>
      %dma_start3A_136 = arith.constant 1200 : i32
      %dma_start3A_137 = tpu.memref_slice %arg6[%dma_start3A_136] : memref<1600xi32, #tpu.memory_space<vmem>> -> memref<80xi32, #tpu.memory_space<vmem>>
      %dma_start3A_138 = arith.constant 0 : i32
      %dma_start3A_139 = arith.constant 0 : i32
      %dma_start3A_140 = tpu.memref_slice %arg4[%dma_start3A_138, %dma_start3A_139] : memref<1000000x32xf32, #tpu.memory_space<hbm>> -> memref<1000000x32xf32, #tpu.memory_space<hbm>>
      tpu.enqueue_indirect_dma source(%dma_start3A_140 : memref<1000000x32xf32, #tpu.memory_space<hbm>>) target(%dma_start3A_135 : memref<80x32xf32, #tpu.memory_space<vmem>>) offsets(%dma_start3A_137 : memref<80xi32, #tpu.memory_space<vmem>>) semaphore(%arg10 : memref<!tpu.dma_semaphore, #tpu.memory_space<semaphore_mem>>)
      %dma_start3A_141 = arith.constant 1280 : i32
      %dma_start3A_142 = arith.constant 0 : i32
      %dma_start3A_143 = tpu.memref_slice %arg8[%dma_start3A_141, %dma_start3A_142] : memref<1600x32xf32, #tpu.memory_space<vmem>> -> memref<80x32xf32, #tpu.memory_space<vmem>>
      %dma_start3A_144 = arith.constant 1280 : i32
      %dma_start3A_145 = tpu.memref_slice %arg6[%dma_start3A_144] : memref<1600xi32, #tpu.memory_space<vmem>> -> memref<80xi32, #tpu.memory_space<vmem>>
      %dma_start3A_146 = arith.constant 0 : i32
      %dma_start3A_147 = arith.constant 0 : i32
      %dma_start3A_148 = tpu.memref_slice %arg4[%dma_start3A_146, %dma_start3A_147] : memref<1000000x32xf32, #tpu.memory_space<hbm>> -> memref<1000000x32xf32, #tpu.memory_space<hbm>>
      tpu.enqueue_indirect_dma source(%dma_start3A_148 : memref<1000000x32xf32, #tpu.memory_space<hbm>>) target(%dma_start3A_143 : memref<80x32xf32, #tpu.memory_space<vmem>>) offsets(%dma_start3A_145 : memref<80xi32, #tpu.memory_space<vmem>>) semaphore(%arg10 : memref<!tpu.dma_semaphore, #tpu.memory_space<semaphore_mem>>)
      %dma_start3A_149 = arith.constant 1360 : i32
      %dma_start3A_150 = arith.constant 0 : i32
      %dma_start3A_151 = tpu.memref_slice %arg8[%dma_start3A_149, %dma_start3A_150] : memref<1600x32xf32, #tpu.memory_space<vmem>> -> memref<80x32xf32, #tpu.memory_space<vmem>>
      %dma_start3A_152 = arith.constant 1360 : i32
      %dma_start3A_153 = tpu.memref_slice %arg6[%dma_start3A_152] : memref<1600xi32, #tpu.memory_space<vmem>> -> memref<80xi32, #tpu.memory_space<vmem>>
      %dma_start3A_154 = arith.constant 0 : i32
      %dma_start3A_155 = arith.constant 0 : i32
      %dma_start3A_156 = tpu.memref_slice %arg4[%dma_start3A_154, %dma_start3A_155] : memref<1000000x32xf32, #tpu.memory_space<hbm>> -> memref<1000000x32xf32, #tpu.memory_space<hbm>>
      tpu.enqueue_indirect_dma source(%dma_start3A_156 : memref<1000000x32xf32, #tpu.memory_space<hbm>>) target(%dma_start3A_151 : memref<80x32xf32, #tpu.memory_space<vmem>>) offsets(%dma_start3A_153 : memref<80xi32, #tpu.memory_space<vmem>>) semaphore(%arg10 : memref<!tpu.dma_semaphore, #tpu.memory_space<semaphore_mem>>)
      %dma_start3A_157 = arith.constant 1440 : i32
      %dma_start3A_158 = arith.constant 0 : i32
      %dma_start3A_159 = tpu.memref_slice %arg8[%dma_start3A_157, %dma_start3A_158] : memref<1600x32xf32, #tpu.memory_space<vmem>> -> memref<80x32xf32, #tpu.memory_space<vmem>>
      %dma_start3A_160 = arith.constant 1440 : i32
      %dma_start3A_161 = tpu.memref_slice %arg6[%dma_start3A_160] : memref<1600xi32, #tpu.memory_space<vmem>> -> memref<80xi32, #tpu.memory_space<vmem>>
      %dma_start3A_162 = arith.constant 0 : i32
      %dma_start3A_163 = arith.constant 0 : i32
      %dma_start3A_164 = tpu.memref_slice %arg4[%dma_start3A_162, %dma_start3A_163] : memref<1000000x32xf32, #tpu.memory_space<hbm>> -> memref<1000000x32xf32, #tpu.memory_space<hbm>>
      tpu.enqueue_indirect_dma source(%dma_start3A_164 : memref<1000000x32xf32, #tpu.memory_space<hbm>>) target(%dma_start3A_159 : memref<80x32xf32, #tpu.memory_space<vmem>>) offsets(%dma_start3A_161 : memref<80xi32, #tpu.memory_space<vmem>>) semaphore(%arg10 : memref<!tpu.dma_semaphore, #tpu.memory_space<semaphore_mem>>)
      %dma_start3A_165 = arith.constant 1520 : i32
      %dma_start3A_166 = arith.constant 0 : i32
      %dma_start3A_167 = tpu.memref_slice %arg8[%dma_start3A_165, %dma_start3A_166] : memref<1600x32xf32, #tpu.memory_space<vmem>> -> memref<80x32xf32, #tpu.memory_space<vmem>>
      %dma_start3A_168 = arith.constant 1520 : i32
      %dma_start3A_169 = tpu.memref_slice %arg6[%dma_start3A_168] : memref<1600xi32, #tpu.memory_space<vmem>> -> memref<80xi32, #tpu.memory_space<vmem>>
      %dma_start3A_170 = arith.constant 0 : i32
      %dma_start3A_171 = arith.constant 0 : i32
      %dma_start3A_172 = tpu.memref_slice %arg4[%dma_start3A_170, %dma_start3A_171] : memref<1000000x32xf32, #tpu.memory_space<hbm>> -> memref<1000000x32xf32, #tpu.memory_space<hbm>>
      tpu.enqueue_indirect_dma source(%dma_start3A_172 : memref<1000000x32xf32, #tpu.memory_space<hbm>>) target(%dma_start3A_167 : memref<80x32xf32, #tpu.memory_space<vmem>>) offsets(%dma_start3A_169 : memref<80xi32, #tpu.memory_space<vmem>>) semaphore(%arg10 : memref<!tpu.dma_semaphore, #tpu.memory_space<semaphore_mem>>)
      %dma_wait3A = arith.constant 0 : i32
      %dma_wait3A_173 = arith.constant 0 : i32
      %dma_wait3A_174 = tpu.memref_slice %arg8[%dma_wait3A, %dma_wait3A_173] : memref<1600x32xf32, #tpu.memory_space<vmem>> -> memref<80x32xf32, #tpu.memory_space<vmem>>
      %dma_wait3A_175 = arith.constant 0 : i32
      %dma_wait3A_176 = tpu.memref_slice %arg6[%dma_wait3A_175] : memref<1600xi32, #tpu.memory_space<vmem>> -> memref<80xi32, #tpu.memory_space<vmem>>
      %dma_wait3A_177 = arith.constant 0 : i32
      %dma_wait3A_178 = arith.constant 0 : i32
      %dma_wait3A_179 = tpu.memref_slice %arg4[%dma_wait3A_177, %dma_wait3A_178] : memref<1000000x32xf32, #tpu.memory_space<hbm>> -> memref<1000000x32xf32, #tpu.memory_space<hbm>>
      tpu.wait_indirect_dma semaphore(%arg10 : memref<!tpu.dma_semaphore, #tpu.memory_space<semaphore_mem>>) src(%dma_wait3A_179 : memref<1000000x32xf32, #tpu.memory_space<hbm>>) dst(%dma_wait3A_174 : memref<80x32xf32, #tpu.memory_space<vmem>>)
      %dma_wait3A_180 = arith.constant 80 : i32
      %dma_wait3A_181 = arith.constant 0 : i32
      %dma_wait3A_182 = tpu.memref_slice %arg8[%dma_wait3A_180, %dma_wait3A_181] : memref<1600x32xf32, #tpu.memory_space<vmem>> -> memref<80x32xf32, #tpu.memory_space<vmem>>
      %dma_wait3A_183 = arith.constant 80 : i32
      %dma_wait3A_184 = tpu.memref_slice %arg6[%dma_wait3A_183] : memref<1600xi32, #tpu.memory_space<vmem>> -> memref<80xi32, #tpu.memory_space<vmem>>
      %dma_wait3A_185 = arith.constant 0 : i32
      %dma_wait3A_186 = arith.constant 0 : i32
      %dma_wait3A_187 = tpu.memref_slice %arg4[%dma_wait3A_185, %dma_wait3A_186] : memref<1000000x32xf32, #tpu.memory_space<hbm>> -> memref<1000000x32xf32, #tpu.memory_space<hbm>>
      tpu.wait_indirect_dma semaphore(%arg10 : memref<!tpu.dma_semaphore, #tpu.memory_space<semaphore_mem>>) src(%dma_wait3A_187 : memref<1000000x32xf32, #tpu.memory_space<hbm>>) dst(%dma_wait3A_182 : memref<80x32xf32, #tpu.memory_space<vmem>>)
      %dma_wait3A_188 = arith.constant 160 : i32
      %dma_wait3A_189 = arith.constant 0 : i32
      %dma_wait3A_190 = tpu.memref_slice %arg8[%dma_wait3A_188, %dma_wait3A_189] : memref<1600x32xf32, #tpu.memory_space<vmem>> -> memref<80x32xf32, #tpu.memory_space<vmem>>
      %dma_wait3A_191 = arith.constant 160 : i32
      %dma_wait3A_192 = tpu.memref_slice %arg6[%dma_wait3A_191] : memref<1600xi32, #tpu.memory_space<vmem>> -> memref<80xi32, #tpu.memory_space<vmem>>
      %dma_wait3A_193 = arith.constant 0 : i32
      %dma_wait3A_194 = arith.constant 0 : i32
      %dma_wait3A_195 = tpu.memref_slice %arg4[%dma_wait3A_193, %dma_wait3A_194] : memref<1000000x32xf32, #tpu.memory_space<hbm>> -> memref<1000000x32xf32, #tpu.memory_space<hbm>>
      tpu.wait_indirect_dma semaphore(%arg10 : memref<!tpu.dma_semaphore, #tpu.memory_space<semaphore_mem>>) src(%dma_wait3A_195 : memref<1000000x32xf32, #tpu.memory_space<hbm>>) dst(%dma_wait3A_190 : memref<80x32xf32, #tpu.memory_space<vmem>>)
      %dma_wait3A_196 = arith.constant 240 : i32
      %dma_wait3A_197 = arith.constant 0 : i32
      %dma_wait3A_198 = tpu.memref_slice %arg8[%dma_wait3A_196, %dma_wait3A_197] : memref<1600x32xf32, #tpu.memory_space<vmem>> -> memref<80x32xf32, #tpu.memory_space<vmem>>
      %dma_wait3A_199 = arith.constant 240 : i32
      %dma_wait3A_200 = tpu.memref_slice %arg6[%dma_wait3A_199] : memref<1600xi32, #tpu.memory_space<vmem>> -> memref<80xi32, #tpu.memory_space<vmem>>
      %dma_wait3A_201 = arith.constant 0 : i32
      %dma_wait3A_202 = arith.constant 0 : i32
      %dma_wait3A_203 = tpu.memref_slice %arg4[%dma_wait3A_201, %dma_wait3A_202] : memref<1000000x32xf32, #tpu.memory_space<hbm>> -> memref<1000000x32xf32, #tpu.memory_space<hbm>>
      tpu.wait_indirect_dma semaphore(%arg10 : memref<!tpu.dma_semaphore, #tpu.memory_space<semaphore_mem>>) src(%dma_wait3A_203 : memref<1000000x32xf32, #tpu.memory_space<hbm>>) dst(%dma_wait3A_198 : memref<80x32xf32, #tpu.memory_space<vmem>>)
      %dma_wait3A_204 = arith.constant 320 : i32
      %dma_wait3A_205 = arith.constant 0 : i32
      %dma_wait3A_206 = tpu.memref_slice %arg8[%dma_wait3A_204, %dma_wait3A_205] : memref<1600x32xf32, #tpu.memory_space<vmem>> -> memref<80x32xf32, #tpu.memory_space<vmem>>
      %dma_wait3A_207 = arith.constant 320 : i32
      %dma_wait3A_208 = tpu.memref_slice %arg6[%dma_wait3A_207] : memref<1600xi32, #tpu.memory_space<vmem>> -> memref<80xi32, #tpu.memory_space<vmem>>
      %dma_wait3A_209 = arith.constant 0 : i32
      %dma_wait3A_210 = arith.constant 0 : i32
      %dma_wait3A_211 = tpu.memref_slice %arg4[%dma_wait3A_209, %dma_wait3A_210] : memref<1000000x32xf32, #tpu.memory_space<hbm>> -> memref<1000000x32xf32, #tpu.memory_space<hbm>>
      tpu.wait_indirect_dma semaphore(%arg10 : memref<!tpu.dma_semaphore, #tpu.memory_space<semaphore_mem>>) src(%dma_wait3A_211 : memref<1000000x32xf32, #tpu.memory_space<hbm>>) dst(%dma_wait3A_206 : memref<80x32xf32, #tpu.memory_space<vmem>>)
      %dma_wait3A_212 = arith.constant 400 : i32
      %dma_wait3A_213 = arith.constant 0 : i32
      %dma_wait3A_214 = tpu.memref_slice %arg8[%dma_wait3A_212, %dma_wait3A_213] : memref<1600x32xf32, #tpu.memory_space<vmem>> -> memref<80x32xf32, #tpu.memory_space<vmem>>
      %dma_wait3A_215 = arith.constant 400 : i32
      %dma_wait3A_216 = tpu.memref_slice %arg6[%dma_wait3A_215] : memref<1600xi32, #tpu.memory_space<vmem>> -> memref<80xi32, #tpu.memory_space<vmem>>
      %dma_wait3A_217 = arith.constant 0 : i32
      %dma_wait3A_218 = arith.constant 0 : i32
      %dma_wait3A_219 = tpu.memref_slice %arg4[%dma_wait3A_217, %dma_wait3A_218] : memref<1000000x32xf32, #tpu.memory_space<hbm>> -> memref<1000000x32xf32, #tpu.memory_space<hbm>>
      tpu.wait_indirect_dma semaphore(%arg10 : memref<!tpu.dma_semaphore, #tpu.memory_space<semaphore_mem>>) src(%dma_wait3A_219 : memref<1000000x32xf32, #tpu.memory_space<hbm>>) dst(%dma_wait3A_214 : memref<80x32xf32, #tpu.memory_space<vmem>>)
      %dma_wait3A_220 = arith.constant 480 : i32
      %dma_wait3A_221 = arith.constant 0 : i32
      %dma_wait3A_222 = tpu.memref_slice %arg8[%dma_wait3A_220, %dma_wait3A_221] : memref<1600x32xf32, #tpu.memory_space<vmem>> -> memref<80x32xf32, #tpu.memory_space<vmem>>
      %dma_wait3A_223 = arith.constant 480 : i32
      %dma_wait3A_224 = tpu.memref_slice %arg6[%dma_wait3A_223] : memref<1600xi32, #tpu.memory_space<vmem>> -> memref<80xi32, #tpu.memory_space<vmem>>
      %dma_wait3A_225 = arith.constant 0 : i32
      %dma_wait3A_226 = arith.constant 0 : i32
      %dma_wait3A_227 = tpu.memref_slice %arg4[%dma_wait3A_225, %dma_wait3A_226] : memref<1000000x32xf32, #tpu.memory_space<hbm>> -> memref<1000000x32xf32, #tpu.memory_space<hbm>>
      tpu.wait_indirect_dma semaphore(%arg10 : memref<!tpu.dma_semaphore, #tpu.memory_space<semaphore_mem>>) src(%dma_wait3A_227 : memref<1000000x32xf32, #tpu.memory_space<hbm>>) dst(%dma_wait3A_222 : memref<80x32xf32, #tpu.memory_space<vmem>>)
      %dma_wait3A_228 = arith.constant 560 : i32
      %dma_wait3A_229 = arith.constant 0 : i32
      %dma_wait3A_230 = tpu.memref_slice %arg8[%dma_wait3A_228, %dma_wait3A_229] : memref<1600x32xf32, #tpu.memory_space<vmem>> -> memref<80x32xf32, #tpu.memory_space<vmem>>
      %dma_wait3A_231 = arith.constant 560 : i32
      %dma_wait3A_232 = tpu.memref_slice %arg6[%dma_wait3A_231] : memref<1600xi32, #tpu.memory_space<vmem>> -> memref<80xi32, #tpu.memory_space<vmem>>
      %dma_wait3A_233 = arith.constant 0 : i32
      %dma_wait3A_234 = arith.constant 0 : i32
      %dma_wait3A_235 = tpu.memref_slice %arg4[%dma_wait3A_233, %dma_wait3A_234] : memref<1000000x32xf32, #tpu.memory_space<hbm>> -> memref<1000000x32xf32, #tpu.memory_space<hbm>>
      tpu.wait_indirect_dma semaphore(%arg10 : memref<!tpu.dma_semaphore, #tpu.memory_space<semaphore_mem>>) src(%dma_wait3A_235 : memref<1000000x32xf32, #tpu.memory_space<hbm>>) dst(%dma_wait3A_230 : memref<80x32xf32, #tpu.memory_space<vmem>>)
      %dma_wait3A_236 = arith.constant 640 : i32
      %dma_wait3A_237 = arith.constant 0 : i32
      %dma_wait3A_238 = tpu.memref_slice %arg8[%dma_wait3A_236, %dma_wait3A_237] : memref<1600x32xf32, #tpu.memory_space<vmem>> -> memref<80x32xf32, #tpu.memory_space<vmem>>
      %dma_wait3A_239 = arith.constant 640 : i32
      %dma_wait3A_240 = tpu.memref_slice %arg6[%dma_wait3A_239] : memref<1600xi32, #tpu.memory_space<vmem>> -> memref<80xi32, #tpu.memory_space<vmem>>
      %dma_wait3A_241 = arith.constant 0 : i32
      %dma_wait3A_242 = arith.constant 0 : i32
      %dma_wait3A_243 = tpu.memref_slice %arg4[%dma_wait3A_241, %dma_wait3A_242] : memref<1000000x32xf32, #tpu.memory_space<hbm>> -> memref<1000000x32xf32, #tpu.memory_space<hbm>>
      tpu.wait_indirect_dma semaphore(%arg10 : memref<!tpu.dma_semaphore, #tpu.memory_space<semaphore_mem>>) src(%dma_wait3A_243 : memref<1000000x32xf32, #tpu.memory_space<hbm>>) dst(%dma_wait3A_238 : memref<80x32xf32, #tpu.memory_space<vmem>>)
      %dma_wait3A_244 = arith.constant 720 : i32
      %dma_wait3A_245 = arith.constant 0 : i32
      %dma_wait3A_246 = tpu.memref_slice %arg8[%dma_wait3A_244, %dma_wait3A_245] : memref<1600x32xf32, #tpu.memory_space<vmem>> -> memref<80x32xf32, #tpu.memory_space<vmem>>
      %dma_wait3A_247 = arith.constant 720 : i32
      %dma_wait3A_248 = tpu.memref_slice %arg6[%dma_wait3A_247] : memref<1600xi32, #tpu.memory_space<vmem>> -> memref<80xi32, #tpu.memory_space<vmem>>
      %dma_wait3A_249 = arith.constant 0 : i32
      %dma_wait3A_250 = arith.constant 0 : i32
      %dma_wait3A_251 = tpu.memref_slice %arg4[%dma_wait3A_249, %dma_wait3A_250] : memref<1000000x32xf32, #tpu.memory_space<hbm>> -> memref<1000000x32xf32, #tpu.memory_space<hbm>>
      tpu.wait_indirect_dma semaphore(%arg10 : memref<!tpu.dma_semaphore, #tpu.memory_space<semaphore_mem>>) src(%dma_wait3A_251 : memref<1000000x32xf32, #tpu.memory_space<hbm>>) dst(%dma_wait3A_246 : memref<80x32xf32, #tpu.memory_space<vmem>>)
      %dma_wait3A_252 = arith.constant 800 : i32
      %dma_wait3A_253 = arith.constant 0 : i32
      %dma_wait3A_254 = tpu.memref_slice %arg8[%dma_wait3A_252, %dma_wait3A_253] : memref<1600x32xf32, #tpu.memory_space<vmem>> -> memref<80x32xf32, #tpu.memory_space<vmem>>
      %dma_wait3A_255 = arith.constant 800 : i32
      %dma_wait3A_256 = tpu.memref_slice %arg6[%dma_wait3A_255] : memref<1600xi32, #tpu.memory_space<vmem>> -> memref<80xi32, #tpu.memory_space<vmem>>
      %dma_wait3A_257 = arith.constant 0 : i32
      %dma_wait3A_258 = arith.constant 0 : i32
      %dma_wait3A_259 = tpu.memref_slice %arg4[%dma_wait3A_257, %dma_wait3A_258] : memref<1000000x32xf32, #tpu.memory_space<hbm>> -> memref<1000000x32xf32, #tpu.memory_space<hbm>>
      tpu.wait_indirect_dma semaphore(%arg10 : memref<!tpu.dma_semaphore, #tpu.memory_space<semaphore_mem>>) src(%dma_wait3A_259 : memref<1000000x32xf32, #tpu.memory_space<hbm>>) dst(%dma_wait3A_254 : memref<80x32xf32, #tpu.memory_space<vmem>>)
      %dma_wait3A_260 = arith.constant 880 : i32
      %dma_wait3A_261 = arith.constant 0 : i32
      %dma_wait3A_262 = tpu.memref_slice %arg8[%dma_wait3A_260, %dma_wait3A_261] : memref<1600x32xf32, #tpu.memory_space<vmem>> -> memref<80x32xf32, #tpu.memory_space<vmem>>
      %dma_wait3A_263 = arith.constant 880 : i32
      %dma_wait3A_264 = tpu.memref_slice %arg6[%dma_wait3A_263] : memref<1600xi32, #tpu.memory_space<vmem>> -> memref<80xi32, #tpu.memory_space<vmem>>
      %dma_wait3A_265 = arith.constant 0 : i32
      %dma_wait3A_266 = arith.constant 0 : i32
      %dma_wait3A_267 = tpu.memref_slice %arg4[%dma_wait3A_265, %dma_wait3A_266] : memref<1000000x32xf32, #tpu.memory_space<hbm>> -> memref<1000000x32xf32, #tpu.memory_space<hbm>>
      tpu.wait_indirect_dma semaphore(%arg10 : memref<!tpu.dma_semaphore, #tpu.memory_space<semaphore_mem>>) src(%dma_wait3A_267 : memref<1000000x32xf32, #tpu.memory_space<hbm>>) dst(%dma_wait3A_262 : memref<80x32xf32, #tpu.memory_space<vmem>>)
      %dma_wait3A_268 = arith.constant 960 : i32
      %dma_wait3A_269 = arith.constant 0 : i32
      %dma_wait3A_270 = tpu.memref_slice %arg8[%dma_wait3A_268, %dma_wait3A_269] : memref<1600x32xf32, #tpu.memory_space<vmem>> -> memref<80x32xf32, #tpu.memory_space<vmem>>
      %dma_wait3A_271 = arith.constant 960 : i32
      %dma_wait3A_272 = tpu.memref_slice %arg6[%dma_wait3A_271] : memref<1600xi32, #tpu.memory_space<vmem>> -> memref<80xi32, #tpu.memory_space<vmem>>
      %dma_wait3A_273 = arith.constant 0 : i32
      %dma_wait3A_274 = arith.constant 0 : i32
      %dma_wait3A_275 = tpu.memref_slice %arg4[%dma_wait3A_273, %dma_wait3A_274] : memref<1000000x32xf32, #tpu.memory_space<hbm>> -> memref<1000000x32xf32, #tpu.memory_space<hbm>>
      tpu.wait_indirect_dma semaphore(%arg10 : memref<!tpu.dma_semaphore, #tpu.memory_space<semaphore_mem>>) src(%dma_wait3A_275 : memref<1000000x32xf32, #tpu.memory_space<hbm>>) dst(%dma_wait3A_270 : memref<80x32xf32, #tpu.memory_space<vmem>>)
      %dma_wait3A_276 = arith.constant 1040 : i32
      %dma_wait3A_277 = arith.constant 0 : i32
      %dma_wait3A_278 = tpu.memref_slice %arg8[%dma_wait3A_276, %dma_wait3A_277] : memref<1600x32xf32, #tpu.memory_space<vmem>> -> memref<80x32xf32, #tpu.memory_space<vmem>>
      %dma_wait3A_279 = arith.constant 1040 : i32
      %dma_wait3A_280 = tpu.memref_slice %arg6[%dma_wait3A_279] : memref<1600xi32, #tpu.memory_space<vmem>> -> memref<80xi32, #tpu.memory_space<vmem>>
      %dma_wait3A_281 = arith.constant 0 : i32
      %dma_wait3A_282 = arith.constant 0 : i32
      %dma_wait3A_283 = tpu.memref_slice %arg4[%dma_wait3A_281, %dma_wait3A_282] : memref<1000000x32xf32, #tpu.memory_space<hbm>> -> memref<1000000x32xf32, #tpu.memory_space<hbm>>
      tpu.wait_indirect_dma semaphore(%arg10 : memref<!tpu.dma_semaphore, #tpu.memory_space<semaphore_mem>>) src(%dma_wait3A_283 : memref<1000000x32xf32, #tpu.memory_space<hbm>>) dst(%dma_wait3A_278 : memref<80x32xf32, #tpu.memory_space<vmem>>)
      %dma_wait3A_284 = arith.constant 1120 : i32
      %dma_wait3A_285 = arith.constant 0 : i32
      %dma_wait3A_286 = tpu.memref_slice %arg8[%dma_wait3A_284, %dma_wait3A_285] : memref<1600x32xf32, #tpu.memory_space<vmem>> -> memref<80x32xf32, #tpu.memory_space<vmem>>
      %dma_wait3A_287 = arith.constant 1120 : i32
      %dma_wait3A_288 = tpu.memref_slice %arg6[%dma_wait3A_287] : memref<1600xi32, #tpu.memory_space<vmem>> -> memref<80xi32, #tpu.memory_space<vmem>>
      %dma_wait3A_289 = arith.constant 0 : i32
      %dma_wait3A_290 = arith.constant 0 : i32
      %dma_wait3A_291 = tpu.memref_slice %arg4[%dma_wait3A_289, %dma_wait3A_290] : memref<1000000x32xf32, #tpu.memory_space<hbm>> -> memref<1000000x32xf32, #tpu.memory_space<hbm>>
      tpu.wait_indirect_dma semaphore(%arg10 : memref<!tpu.dma_semaphore, #tpu.memory_space<semaphore_mem>>) src(%dma_wait3A_291 : memref<1000000x32xf32, #tpu.memory_space<hbm>>) dst(%dma_wait3A_286 : memref<80x32xf32, #tpu.memory_space<vmem>>)
      %dma_wait3A_292 = arith.constant 1200 : i32
      %dma_wait3A_293 = arith.constant 0 : i32
      %dma_wait3A_294 = tpu.memref_slice %arg8[%dma_wait3A_292, %dma_wait3A_293] : memref<1600x32xf32, #tpu.memory_space<vmem>> -> memref<80x32xf32, #tpu.memory_space<vmem>>
      %dma_wait3A_295 = arith.constant 1200 : i32
      %dma_wait3A_296 = tpu.memref_slice %arg6[%dma_wait3A_295] : memref<1600xi32, #tpu.memory_space<vmem>> -> memref<80xi32, #tpu.memory_space<vmem>>
      %dma_wait3A_297 = arith.constant 0 : i32
      %dma_wait3A_298 = arith.constant 0 : i32
      %dma_wait3A_299 = tpu.memref_slice %arg4[%dma_wait3A_297, %dma_wait3A_298] : memref<1000000x32xf32, #tpu.memory_space<hbm>> -> memref<1000000x32xf32, #tpu.memory_space<hbm>>
      tpu.wait_indirect_dma semaphore(%arg10 : memref<!tpu.dma_semaphore, #tpu.memory_space<semaphore_mem>>) src(%dma_wait3A_299 : memref<1000000x32xf32, #tpu.memory_space<hbm>>) dst(%dma_wait3A_294 : memref<80x32xf32, #tpu.memory_space<vmem>>)
      %dma_wait3A_300 = arith.constant 1280 : i32
      %dma_wait3A_301 = arith.constant 0 : i32
      %dma_wait3A_302 = tpu.memref_slice %arg8[%dma_wait3A_300, %dma_wait3A_301] : memref<1600x32xf32, #tpu.memory_space<vmem>> -> memref<80x32xf32, #tpu.memory_space<vmem>>
      %dma_wait3A_303 = arith.constant 1280 : i32
      %dma_wait3A_304 = tpu.memref_slice %arg6[%dma_wait3A_303] : memref<1600xi32, #tpu.memory_space<vmem>> -> memref<80xi32, #tpu.memory_space<vmem>>
      %dma_wait3A_305 = arith.constant 0 : i32
      %dma_wait3A_306 = arith.constant 0 : i32
      %dma_wait3A_307 = tpu.memref_slice %arg4[%dma_wait3A_305, %dma_wait3A_306] : memref<1000000x32xf32, #tpu.memory_space<hbm>> -> memref<1000000x32xf32, #tpu.memory_space<hbm>>
      tpu.wait_indirect_dma semaphore(%arg10 : memref<!tpu.dma_semaphore, #tpu.memory_space<semaphore_mem>>) src(%dma_wait3A_307 : memref<1000000x32xf32, #tpu.memory_space<hbm>>) dst(%dma_wait3A_302 : memref<80x32xf32, #tpu.memory_space<vmem>>)
      %dma_wait3A_308 = arith.constant 1360 : i32
      %dma_wait3A_309 = arith.constant 0 : i32
      %dma_wait3A_310 = tpu.memref_slice %arg8[%dma_wait3A_308, %dma_wait3A_309] : memref<1600x32xf32, #tpu.memory_space<vmem>> -> memref<80x32xf32, #tpu.memory_space<vmem>>
      %dma_wait3A_311 = arith.constant 1360 : i32
      %dma_wait3A_312 = tpu.memref_slice %arg6[%dma_wait3A_311] : memref<1600xi32, #tpu.memory_space<vmem>> -> memref<80xi32, #tpu.memory_space<vmem>>
      %dma_wait3A_313 = arith.constant 0 : i32
      %dma_wait3A_314 = arith.constant 0 : i32
      %dma_wait3A_315 = tpu.memref_slice %arg4[%dma_wait3A_313, %dma_wait3A_314] : memref<1000000x32xf32, #tpu.memory_space<hbm>> -> memref<1000000x32xf32, #tpu.memory_space<hbm>>
      tpu.wait_indirect_dma semaphore(%arg10 : memref<!tpu.dma_semaphore, #tpu.memory_space<semaphore_mem>>) src(%dma_wait3A_315 : memref<1000000x32xf32, #tpu.memory_space<hbm>>) dst(%dma_wait3A_310 : memref<80x32xf32, #tpu.memory_space<vmem>>)
      %dma_wait3A_316 = arith.constant 1440 : i32
      %dma_wait3A_317 = arith.constant 0 : i32
      %dma_wait3A_318 = tpu.memref_slice %arg8[%dma_wait3A_316, %dma_wait3A_317] : memref<1600x32xf32, #tpu.memory_space<vmem>> -> memref<80x32xf32, #tpu.memory_space<vmem>>
      %dma_wait3A_319 = arith.constant 1440 : i32
      %dma_wait3A_320 = tpu.memref_slice %arg6[%dma_wait3A_319] : memref<1600xi32, #tpu.memory_space<vmem>> -> memref<80xi32, #tpu.memory_space<vmem>>
      %dma_wait3A_321 = arith.constant 0 : i32
      %dma_wait3A_322 = arith.constant 0 : i32
      %dma_wait3A_323 = tpu.memref_slice %arg4[%dma_wait3A_321, %dma_wait3A_322] : memref<1000000x32xf32, #tpu.memory_space<hbm>> -> memref<1000000x32xf32, #tpu.memory_space<hbm>>
      tpu.wait_indirect_dma semaphore(%arg10 : memref<!tpu.dma_semaphore, #tpu.memory_space<semaphore_mem>>) src(%dma_wait3A_323 : memref<1000000x32xf32, #tpu.memory_space<hbm>>) dst(%dma_wait3A_318 : memref<80x32xf32, #tpu.memory_space<vmem>>)
      %dma_wait3A_324 = arith.constant 1520 : i32
      %dma_wait3A_325 = arith.constant 0 : i32
      %dma_wait3A_326 = tpu.memref_slice %arg8[%dma_wait3A_324, %dma_wait3A_325] : memref<1600x32xf32, #tpu.memory_space<vmem>> -> memref<80x32xf32, #tpu.memory_space<vmem>>
      %dma_wait3A_327 = arith.constant 1520 : i32
      %dma_wait3A_328 = tpu.memref_slice %arg6[%dma_wait3A_327] : memref<1600xi32, #tpu.memory_space<vmem>> -> memref<80xi32, #tpu.memory_space<vmem>>
      %dma_wait3A_329 = arith.constant 0 : i32
      %dma_wait3A_330 = arith.constant 0 : i32
      %dma_wait3A_331 = tpu.memref_slice %arg4[%dma_wait3A_329, %dma_wait3A_330] : memref<1000000x32xf32, #tpu.memory_space<hbm>> -> memref<1000000x32xf32, #tpu.memory_space<hbm>>
      tpu.wait_indirect_dma semaphore(%arg10 : memref<!tpu.dma_semaphore, #tpu.memory_space<semaphore_mem>>) src(%dma_wait3A_331 : memref<1000000x32xf32, #tpu.memory_space<hbm>>) dst(%dma_wait3A_326 : memref<80x32xf32, #tpu.memory_space<vmem>>)
      %scan3A_332 = arith.constant 0 : i32
      %scan3A_333 = arith.constant 0 : i32
      %scan3A_334 = arith.constant 32 : i32
      %scan3A_335 = arith.addi %scan3A_333, %scan3A_334 : i32
      %scan3A_336 = arith.constant 1 : i32
      scf.for %scan3A_343 = %scan3A_333 to %scan3A_335 step %scan3A_336  : i32 {
        %mul3A_344 = arith.constant 50 : i32
        %mul3A_345 = arith.muli %scan3A_343, %mul3A_344 : i32
        %broadcast_in_dim3A = arith.constant 0.000000e+00 : f32
        %broadcast_in_dim3A_346 = vector.broadcast %broadcast_in_dim3A : f32 to vector<16xf32>
        %broadcast_in_dim3A_347 = arith.constant 0.000000e+00 : f32
        %broadcast_in_dim3A_348 = vector.broadcast %broadcast_in_dim3A_347 : f32 to vector<16xf32>
        %add3A_349 = arith.constant 0 : i32
        %add3A_350 = arith.addi %mul3A_345, %add3A_349 : i32
        %get3A = arith.index_cast %add3A_350 : i32 to index
        %get3A_351 = tpu.vector_load %arg7[%get3A] {strides = array<i32>} : memref<1616xf32, #tpu.memory_space<vmem>>, vector<16xf32>,
        %get3A_352 = vector.shape_cast %get3A_351 : vector<16xf32> to vector<16xf32>
        %slice3A = vector.extract_strided_slice %get3A_352 {offsets = [0], sizes = [1], strides = [1]} : vector<16xf32> to vector<1xf32>
        %squeeze3A = vector.extract %slice3A[0] : f32 from vector<1xf32>
        %broadcast_in_dim3A_353 = vector.broadcast %squeeze3A : f32 to vector<16xf32>
        %add3A_354 = arith.constant 0 : i32
        %add3A_355 = arith.addi %mul3A_345, %add3A_354 : i32
        %add3A_356 = arith.constant 0 : i32
        %add3A_357 = arith.addi %add3A_355, %add3A_356 : i32
        %get3A_358 = arith.index_cast %add3A_357 : i32 to index
        %get3A_359 = arith.constant 0 : index
        %get3A_360 = tpu.vector_load %arg8[%get3A_358, %get3A_359] {strides = array<i32>} : memref<1600x32xf32, #tpu.memory_space<vmem>>, vector<1x16xf32>,
        %get3A_361 = vector.shape_cast %get3A_360 : vector<1x16xf32> to vector<16xf32>
        %get3A_362 = arith.index_cast %add3A_357 : i32 to index
        %get3A_363 = arith.constant 16 : index
        %get3A_364 = tpu.vector_load %arg8[%get3A_362, %get3A_363] {strides = array<i32>} : memref<1600x32xf32, #tpu.memory_space<vmem>>, vector<1x16xf32>,
        %get3A_365 = vector.shape_cast %get3A_364 : vector<1x16xf32> to vector<16xf32>
        %mul3A_366 = arith.mulf %broadcast_in_dim3A_353, %get3A_361 : vector<16xf32>
        %add3A_367 = arith.addf %broadcast_in_dim3A_346, %mul3A_366 : vector<16xf32>
        %mul3A_368 = arith.mulf %broadcast_in_dim3A_353, %get3A_365 : vector<16xf32>
        %add3A_369 = arith.addf %broadcast_in_dim3A_348, %mul3A_368 : vector<16xf32>
        %slice3A_370 = vector.extract_strided_slice %get3A_352 {offsets = [1], sizes = [1], strides = [1]} : vector<16xf32> to vector<1xf32>
        %squeeze3A_371 = vector.extract %slice3A_370[0] : f32 from vector<1xf32>
        %broadcast_in_dim3A_372 = vector.broadcast %squeeze3A_371 : f32 to vector<16xf32>
        %add3A_373 = arith.constant 0 : i32
        %add3A_374 = arith.addi %mul3A_345, %add3A_373 : i32
        %add3A_375 = arith.constant 1 : i32
        %add3A_376 = arith.addi %add3A_374, %add3A_375 : i32
        %get3A_377 = arith.index_cast %add3A_376 : i32 to index
        %get3A_378 = arith.constant 0 : index
        %get3A_379 = tpu.vector_load %arg8[%get3A_377, %get3A_378] {strides = array<i32>} : memref<1600x32xf32, #tpu.memory_space<vmem>>, vector<1x16xf32>,
        %get3A_380 = vector.shape_cast %get3A_379 : vector<1x16xf32> to vector<16xf32>
        %get3A_381 = arith.index_cast %add3A_376 : i32 to index
        %get3A_382 = arith.constant 16 : index
        %get3A_383 = tpu.vector_load %arg8[%get3A_381, %get3A_382] {strides = array<i32>} : memref<1600x32xf32, #tpu.memory_space<vmem>>, vector<1x16xf32>,
        %get3A_384 = vector.shape_cast %get3A_383 : vector<1x16xf32> to vector<16xf32>
        %mul3A_385 = arith.mulf %broadcast_in_dim3A_372, %get3A_380 : vector<16xf32>
        %add3A_386 = arith.addf %add3A_367, %mul3A_385 : vector<16xf32>
        %mul3A_387 = arith.mulf %broadcast_in_dim3A_372, %get3A_384 : vector<16xf32>
        %add3A_388 = arith.addf %add3A_369, %mul3A_387 : vector<16xf32>
        %slice3A_389 = vector.extract_strided_slice %get3A_352 {offsets = [2], sizes = [1], strides = [1]} : vector<16xf32> to vector<1xf32>
        %squeeze3A_390 = vector.extract %slice3A_389[0] : f32 from vector<1xf32>
        %broadcast_in_dim3A_391 = vector.broadcast %squeeze3A_390 : f32 to vector<16xf32>
        %add3A_392 = arith.constant 0 : i32
        %add3A_393 = arith.addi %mul3A_345, %add3A_392 : i32
        %add3A_394 = arith.constant 2 : i32
        %add3A_395 = arith.addi %add3A_393, %add3A_394 : i32
        %get3A_396 = arith.index_cast %add3A_395 : i32 to index
        %get3A_397 = arith.constant 0 : index
        %get3A_398 = tpu.vector_load %arg8[%get3A_396, %get3A_397] {strides = array<i32>} : memref<1600x32xf32, #tpu.memory_space<vmem>>, vector<1x16xf32>,
        %get3A_399 = vector.shape_cast %get3A_398 : vector<1x16xf32> to vector<16xf32>
        %get3A_400 = arith.index_cast %add3A_395 : i32 to index
        %get3A_401 = arith.constant 16 : index
        %get3A_402 = tpu.vector_load %arg8[%get3A_400, %get3A_401] {strides = array<i32>} : memref<1600x32xf32, #tpu.memory_space<vmem>>, vector<1x16xf32>,
        %get3A_403 = vector.shape_cast %get3A_402 : vector<1x16xf32> to vector<16xf32>
        %mul3A_404 = arith.mulf %broadcast_in_dim3A_391, %get3A_399 : vector<16xf32>
        %add3A_405 = arith.addf %add3A_386, %mul3A_404 : vector<16xf32>
        %mul3A_406 = arith.mulf %broadcast_in_dim3A_391, %get3A_403 : vector<16xf32>
        %add3A_407 = arith.addf %add3A_388, %mul3A_406 : vector<16xf32>
        %slice3A_408 = vector.extract_strided_slice %get3A_352 {offsets = [3], sizes = [1], strides = [1]} : vector<16xf32> to vector<1xf32>
        %squeeze3A_409 = vector.extract %slice3A_408[0] : f32 from vector<1xf32>
        %broadcast_in_dim3A_410 = vector.broadcast %squeeze3A_409 : f32 to vector<16xf32>
        %add3A_411 = arith.constant 0 : i32
        %add3A_412 = arith.addi %mul3A_345, %add3A_411 : i32
        %add3A_413 = arith.constant 3 : i32
        %add3A_414 = arith.addi %add3A_412, %add3A_413 : i32
        %get3A_415 = arith.index_cast %add3A_414 : i32 to index
        %get3A_416 = arith.constant 0 : index
        %get3A_417 = tpu.vector_load %arg8[%get3A_415, %get3A_416] {strides = array<i32>} : memref<1600x32xf32, #tpu.memory_space<vmem>>, vector<1x16xf32>,
        %get3A_418 = vector.shape_cast %get3A_417 : vector<1x16xf32> to vector<16xf32>
        %get3A_419 = arith.index_cast %add3A_414 : i32 to index
        %get3A_420 = arith.constant 16 : index
        %get3A_421 = tpu.vector_load %arg8[%get3A_419, %get3A_420] {strides = array<i32>} : memref<1600x32xf32, #tpu.memory_space<vmem>>, vector<1x16xf32>,
        %get3A_422 = vector.shape_cast %get3A_421 : vector<1x16xf32> to vector<16xf32>
        %mul3A_423 = arith.mulf %broadcast_in_dim3A_410, %get3A_418 : vector<16xf32>
        %add3A_424 = arith.addf %add3A_405, %mul3A_423 : vector<16xf32>
        %mul3A_425 = arith.mulf %broadcast_in_dim3A_410, %get3A_422 : vector<16xf32>
        %add3A_426 = arith.addf %add3A_407, %mul3A_425 : vector<16xf32>
        %slice3A_427 = vector.extract_strided_slice %get3A_352 {offsets = [4], sizes = [1], strides = [1]} : vector<16xf32> to vector<1xf32>
        %squeeze3A_428 = vector.extract %slice3A_427[0] : f32 from vector<1xf32>
        %broadcast_in_dim3A_429 = vector.broadcast %squeeze3A_428 : f32 to vector<16xf32>
        %add3A_430 = arith.constant 0 : i32
        %add3A_431 = arith.addi %mul3A_345, %add3A_430 : i32
        %add3A_432 = arith.constant 4 : i32
        %add3A_433 = arith.addi %add3A_431, %add3A_432 : i32
        %get3A_434 = arith.index_cast %add3A_433 : i32 to index
        %get3A_435 = arith.constant 0 : index
        %get3A_436 = tpu.vector_load %arg8[%get3A_434, %get3A_435] {strides = array<i32>} : memref<1600x32xf32, #tpu.memory_space<vmem>>, vector<1x16xf32>,
        %get3A_437 = vector.shape_cast %get3A_436 : vector<1x16xf32> to vector<16xf32>
        %get3A_438 = arith.index_cast %add3A_433 : i32 to index
        %get3A_439 = arith.constant 16 : index
        %get3A_440 = tpu.vector_load %arg8[%get3A_438, %get3A_439] {strides = array<i32>} : memref<1600x32xf32, #tpu.memory_space<vmem>>, vector<1x16xf32>,
        %get3A_441 = vector.shape_cast %get3A_440 : vector<1x16xf32> to vector<16xf32>
        %mul3A_442 = arith.mulf %broadcast_in_dim3A_429, %get3A_437 : vector<16xf32>
        %add3A_443 = arith.addf %add3A_424, %mul3A_442 : vector<16xf32>
        %mul3A_444 = arith.mulf %broadcast_in_dim3A_429, %get3A_441 : vector<16xf32>
        %add3A_445 = arith.addf %add3A_426, %mul3A_444 : vector<16xf32>
        %slice3A_446 = vector.extract_strided_slice %get3A_352 {offsets = [5], sizes = [1], strides = [1]} : vector<16xf32> to vector<1xf32>
        %squeeze3A_447 = vector.extract %slice3A_446[0] : f32 from vector<1xf32>
        %broadcast_in_dim3A_448 = vector.broadcast %squeeze3A_447 : f32 to vector<16xf32>
        %add3A_449 = arith.constant 0 : i32
        %add3A_450 = arith.addi %mul3A_345, %add3A_449 : i32
        %add3A_451 = arith.constant 5 : i32
        %add3A_452 = arith.addi %add3A_450, %add3A_451 : i32
        %get3A_453 = arith.index_cast %add3A_452 : i32 to index
        %get3A_454 = arith.constant 0 : index
        %get3A_455 = tpu.vector_load %arg8[%get3A_453, %get3A_454] {strides = array<i32>} : memref<1600x32xf32, #tpu.memory_space<vmem>>, vector<1x16xf32>,
        %get3A_456 = vector.shape_cast %get3A_455 : vector<1x16xf32> to vector<16xf32>
        %get3A_457 = arith.index_cast %add3A_452 : i32 to index
        %get3A_458 = arith.constant 16 : index
        %get3A_459 = tpu.vector_load %arg8[%get3A_457, %get3A_458] {strides = array<i32>} : memref<1600x32xf32, #tpu.memory_space<vmem>>, vector<1x16xf32>,
        %get3A_460 = vector.shape_cast %get3A_459 : vector<1x16xf32> to vector<16xf32>
        %mul3A_461 = arith.mulf %broadcast_in_dim3A_448, %get3A_456 : vector<16xf32>
        %add3A_462 = arith.addf %add3A_443, %mul3A_461 : vector<16xf32>
        %mul3A_463 = arith.mulf %broadcast_in_dim3A_448, %get3A_460 : vector<16xf32>
        %add3A_464 = arith.addf %add3A_445, %mul3A_463 : vector<16xf32>
        %slice3A_465 = vector.extract_strided_slice %get3A_352 {offsets = [6], sizes = [1], strides = [1]} : vector<16xf32> to vector<1xf32>
        %squeeze3A_466 = vector.extract %slice3A_465[0] : f32 from vector<1xf32>
        %broadcast_in_dim3A_467 = vector.broadcast %squeeze3A_466 : f32 to vector<16xf32>
        %add3A_468 = arith.constant 0 : i32
        %add3A_469 = arith.addi %mul3A_345, %add3A_468 : i32
        %add3A_470 = arith.constant 6 : i32
        %add3A_471 = arith.addi %add3A_469, %add3A_470 : i32
        %get3A_472 = arith.index_cast %add3A_471 : i32 to index
        %get3A_473 = arith.constant 0 : index
        %get3A_474 = tpu.vector_load %arg8[%get3A_472, %get3A_473] {strides = array<i32>} : memref<1600x32xf32, #tpu.memory_space<vmem>>, vector<1x16xf32>,
        %get3A_475 = vector.shape_cast %get3A_474 : vector<1x16xf32> to vector<16xf32>
        %get3A_476 = arith.index_cast %add3A_471 : i32 to index
        %get3A_477 = arith.constant 16 : index
        %get3A_478 = tpu.vector_load %arg8[%get3A_476, %get3A_477] {strides = array<i32>} : memref<1600x32xf32, #tpu.memory_space<vmem>>, vector<1x16xf32>,
        %get3A_479 = vector.shape_cast %get3A_478 : vector<1x16xf32> to vector<16xf32>
        %mul3A_480 = arith.mulf %broadcast_in_dim3A_467, %get3A_475 : vector<16xf32>
        %add3A_481 = arith.addf %add3A_462, %mul3A_480 : vector<16xf32>
        %mul3A_482 = arith.mulf %broadcast_in_dim3A_467, %get3A_479 : vector<16xf32>
        %add3A_483 = arith.addf %add3A_464, %mul3A_482 : vector<16xf32>
        %slice3A_484 = vector.extract_strided_slice %get3A_352 {offsets = [7], sizes = [1], strides = [1]} : vector<16xf32> to vector<1xf32>
        %squeeze3A_485 = vector.extract %slice3A_484[0] : f32 from vector<1xf32>
        %broadcast_in_dim3A_486 = vector.broadcast %squeeze3A_485 : f32 to vector<16xf32>
        %add3A_487 = arith.constant 0 : i32
        %add3A_488 = arith.addi %mul3A_345, %add3A_487 : i32
        %add3A_489 = arith.constant 7 : i32
        %add3A_490 = arith.addi %add3A_488, %add3A_489 : i32
        %get3A_491 = arith.index_cast %add3A_490 : i32 to index
        %get3A_492 = arith.constant 0 : index
        %get3A_493 = tpu.vector_load %arg8[%get3A_491, %get3A_492] {strides = array<i32>} : memref<1600x32xf32, #tpu.memory_space<vmem>>, vector<1x16xf32>,
        %get3A_494 = vector.shape_cast %get3A_493 : vector<1x16xf32> to vector<16xf32>
        %get3A_495 = arith.index_cast %add3A_490 : i32 to index
        %get3A_496 = arith.constant 16 : index
        %get3A_497 = tpu.vector_load %arg8[%get3A_495, %get3A_496] {strides = array<i32>} : memref<1600x32xf32, #tpu.memory_space<vmem>>, vector<1x16xf32>,
        %get3A_498 = vector.shape_cast %get3A_497 : vector<1x16xf32> to vector<16xf32>
        %mul3A_499 = arith.mulf %broadcast_in_dim3A_486, %get3A_494 : vector<16xf32>
        %add3A_500 = arith.addf %add3A_481, %mul3A_499 : vector<16xf32>
        %mul3A_501 = arith.mulf %broadcast_in_dim3A_486, %get3A_498 : vector<16xf32>
        %add3A_502 = arith.addf %add3A_483, %mul3A_501 : vector<16xf32>
        %slice3A_503 = vector.extract_strided_slice %get3A_352 {offsets = [8], sizes = [1], strides = [1]} : vector<16xf32> to vector<1xf32>
        %squeeze3A_504 = vector.extract %slice3A_503[0] : f32 from vector<1xf32>
        %broadcast_in_dim3A_505 = vector.broadcast %squeeze3A_504 : f32 to vector<16xf32>
        %add3A_506 = arith.constant 0 : i32
        %add3A_507 = arith.addi %mul3A_345, %add3A_506 : i32
        %add3A_508 = arith.constant 8 : i32
        %add3A_509 = arith.addi %add3A_507, %add3A_508 : i32
        %get3A_510 = arith.index_cast %add3A_509 : i32 to index
        %get3A_511 = arith.constant 0 : index
        %get3A_512 = tpu.vector_load %arg8[%get3A_510, %get3A_511] {strides = array<i32>} : memref<1600x32xf32, #tpu.memory_space<vmem>>, vector<1x16xf32>,
        %get3A_513 = vector.shape_cast %get3A_512 : vector<1x16xf32> to vector<16xf32>
        %get3A_514 = arith.index_cast %add3A_509 : i32 to index
        %get3A_515 = arith.constant 16 : index
        %get3A_516 = tpu.vector_load %arg8[%get3A_514, %get3A_515] {strides = array<i32>} : memref<1600x32xf32, #tpu.memory_space<vmem>>, vector<1x16xf32>,
        %get3A_517 = vector.shape_cast %get3A_516 : vector<1x16xf32> to vector<16xf32>
        %mul3A_518 = arith.mulf %broadcast_in_dim3A_505, %get3A_513 : vector<16xf32>
        %add3A_519 = arith.addf %add3A_500, %mul3A_518 : vector<16xf32>
        %mul3A_520 = arith.mulf %broadcast_in_dim3A_505, %get3A_517 : vector<16xf32>
        %add3A_521 = arith.addf %add3A_502, %mul3A_520 : vector<16xf32>
        %slice3A_522 = vector.extract_strided_slice %get3A_352 {offsets = [9], sizes = [1], strides = [1]} : vector<16xf32> to vector<1xf32>
        %squeeze3A_523 = vector.extract %slice3A_522[0] : f32 from vector<1xf32>
        %broadcast_in_dim3A_524 = vector.broadcast %squeeze3A_523 : f32 to vector<16xf32>
        %add3A_525 = arith.constant 0 : i32
        %add3A_526 = arith.addi %mul3A_345, %add3A_525 : i32
        %add3A_527 = arith.constant 9 : i32
        %add3A_528 = arith.addi %add3A_526, %add3A_527 : i32
        %get3A_529 = arith.index_cast %add3A_528 : i32 to index
        %get3A_530 = arith.constant 0 : index
        %get3A_531 = tpu.vector_load %arg8[%get3A_529, %get3A_530] {strides = array<i32>} : memref<1600x32xf32, #tpu.memory_space<vmem>>, vector<1x16xf32>,
        %get3A_532 = vector.shape_cast %get3A_531 : vector<1x16xf32> to vector<16xf32>
        %get3A_533 = arith.index_cast %add3A_528 : i32 to index
        %get3A_534 = arith.constant 16 : index
        %get3A_535 = tpu.vector_load %arg8[%get3A_533, %get3A_534] {strides = array<i32>} : memref<1600x32xf32, #tpu.memory_space<vmem>>, vector<1x16xf32>,
        %get3A_536 = vector.shape_cast %get3A_535 : vector<1x16xf32> to vector<16xf32>
        %mul3A_537 = arith.mulf %broadcast_in_dim3A_524, %get3A_532 : vector<16xf32>
        %add3A_538 = arith.addf %add3A_519, %mul3A_537 : vector<16xf32>
        %mul3A_539 = arith.mulf %broadcast_in_dim3A_524, %get3A_536 : vector<16xf32>
        %add3A_540 = arith.addf %add3A_521, %mul3A_539 : vector<16xf32>
        %slice3A_541 = vector.extract_strided_slice %get3A_352 {offsets = [10], sizes = [1], strides = [1]} : vector<16xf32> to vector<1xf32>
        %squeeze3A_542 = vector.extract %slice3A_541[0] : f32 from vector<1xf32>
        %broadcast_in_dim3A_543 = vector.broadcast %squeeze3A_542 : f32 to vector<16xf32>
        %add3A_544 = arith.constant 0 : i32
        %add3A_545 = arith.addi %mul3A_345, %add3A_544 : i32
        %add3A_546 = arith.constant 10 : i32
        %add3A_547 = arith.addi %add3A_545, %add3A_546 : i32
        %get3A_548 = arith.index_cast %add3A_547 : i32 to index
        %get3A_549 = arith.constant 0 : index
        %get3A_550 = tpu.vector_load %arg8[%get3A_548, %get3A_549] {strides = array<i32>} : memref<1600x32xf32, #tpu.memory_space<vmem>>, vector<1x16xf32>,
        %get3A_551 = vector.shape_cast %get3A_550 : vector<1x16xf32> to vector<16xf32>
        %get3A_552 = arith.index_cast %add3A_547 : i32 to index
        %get3A_553 = arith.constant 16 : index
        %get3A_554 = tpu.vector_load %arg8[%get3A_552, %get3A_553] {strides = array<i32>} : memref<1600x32xf32, #tpu.memory_space<vmem>>, vector<1x16xf32>,
        %get3A_555 = vector.shape_cast %get3A_554 : vector<1x16xf32> to vector<16xf32>
        %mul3A_556 = arith.mulf %broadcast_in_dim3A_543, %get3A_551 : vector<16xf32>
        %add3A_557 = arith.addf %add3A_538, %mul3A_556 : vector<16xf32>
        %mul3A_558 = arith.mulf %broadcast_in_dim3A_543, %get3A_555 : vector<16xf32>
        %add3A_559 = arith.addf %add3A_540, %mul3A_558 : vector<16xf32>
        %slice3A_560 = vector.extract_strided_slice %get3A_352 {offsets = [11], sizes = [1], strides = [1]} : vector<16xf32> to vector<1xf32>
        %squeeze3A_561 = vector.extract %slice3A_560[0] : f32 from vector<1xf32>
        %broadcast_in_dim3A_562 = vector.broadcast %squeeze3A_561 : f32 to vector<16xf32>
        %add3A_563 = arith.constant 0 : i32
        %add3A_564 = arith.addi %mul3A_345, %add3A_563 : i32
        %add3A_565 = arith.constant 11 : i32
        %add3A_566 = arith.addi %add3A_564, %add3A_565 : i32
        %get3A_567 = arith.index_cast %add3A_566 : i32 to index
        %get3A_568 = arith.constant 0 : index
        %get3A_569 = tpu.vector_load %arg8[%get3A_567, %get3A_568] {strides = array<i32>} : memref<1600x32xf32, #tpu.memory_space<vmem>>, vector<1x16xf32>,
        %get3A_570 = vector.shape_cast %get3A_569 : vector<1x16xf32> to vector<16xf32>
        %get3A_571 = arith.index_cast %add3A_566 : i32 to index
        %get3A_572 = arith.constant 16 : index
        %get3A_573 = tpu.vector_load %arg8[%get3A_571, %get3A_572] {strides = array<i32>} : memref<1600x32xf32, #tpu.memory_space<vmem>>, vector<1x16xf32>,
        %get3A_574 = vector.shape_cast %get3A_573 : vector<1x16xf32> to vector<16xf32>
        %mul3A_575 = arith.mulf %broadcast_in_dim3A_562, %get3A_570 : vector<16xf32>
        %add3A_576 = arith.addf %add3A_557, %mul3A_575 : vector<16xf32>
        %mul3A_577 = arith.mulf %broadcast_in_dim3A_562, %get3A_574 : vector<16xf32>
        %add3A_578 = arith.addf %add3A_559, %mul3A_577 : vector<16xf32>
        %slice3A_579 = vector.extract_strided_slice %get3A_352 {offsets = [12], sizes = [1], strides = [1]} : vector<16xf32> to vector<1xf32>
        %squeeze3A_580 = vector.extract %slice3A_579[0] : f32 from vector<1xf32>
        %broadcast_in_dim3A_581 = vector.broadcast %squeeze3A_580 : f32 to vector<16xf32>
        %add3A_582 = arith.constant 0 : i32
        %add3A_583 = arith.addi %mul3A_345, %add3A_582 : i32
        %add3A_584 = arith.constant 12 : i32
        %add3A_585 = arith.addi %add3A_583, %add3A_584 : i32
        %get3A_586 = arith.index_cast %add3A_585 : i32 to index
        %get3A_587 = arith.constant 0 : index
        %get3A_588 = tpu.vector_load %arg8[%get3A_586, %get3A_587] {strides = array<i32>} : memref<1600x32xf32, #tpu.memory_space<vmem>>, vector<1x16xf32>,
        %get3A_589 = vector.shape_cast %get3A_588 : vector<1x16xf32> to vector<16xf32>
        %get3A_590 = arith.index_cast %add3A_585 : i32 to index
        %get3A_591 = arith.constant 16 : index
        %get3A_592 = tpu.vector_load %arg8[%get3A_590, %get3A_591] {strides = array<i32>} : memref<1600x32xf32, #tpu.memory_space<vmem>>, vector<1x16xf32>,
        %get3A_593 = vector.shape_cast %get3A_592 : vector<1x16xf32> to vector<16xf32>
        %mul3A_594 = arith.mulf %broadcast_in_dim3A_581, %get3A_589 : vector<16xf32>
        %add3A_595 = arith.addf %add3A_576, %mul3A_594 : vector<16xf32>
        %mul3A_596 = arith.mulf %broadcast_in_dim3A_581, %get3A_593 : vector<16xf32>
        %add3A_597 = arith.addf %add3A_578, %mul3A_596 : vector<16xf32>
        %slice3A_598 = vector.extract_strided_slice %get3A_352 {offsets = [13], sizes = [1], strides = [1]} : vector<16xf32> to vector<1xf32>
        %squeeze3A_599 = vector.extract %slice3A_598[0] : f32 from vector<1xf32>
        %broadcast_in_dim3A_600 = vector.broadcast %squeeze3A_599 : f32 to vector<16xf32>
        %add3A_601 = arith.constant 0 : i32
        %add3A_602 = arith.addi %mul3A_345, %add3A_601 : i32
        %add3A_603 = arith.constant 13 : i32
        %add3A_604 = arith.addi %add3A_602, %add3A_603 : i32
        %get3A_605 = arith.index_cast %add3A_604 : i32 to index
        %get3A_606 = arith.constant 0 : index
        %get3A_607 = tpu.vector_load %arg8[%get3A_605, %get3A_606] {strides = array<i32>} : memref<1600x32xf32, #tpu.memory_space<vmem>>, vector<1x16xf32>,
        %get3A_608 = vector.shape_cast %get3A_607 : vector<1x16xf32> to vector<16xf32>
        %get3A_609 = arith.index_cast %add3A_604 : i32 to index
        %get3A_610 = arith.constant 16 : index
        %get3A_611 = tpu.vector_load %arg8[%get3A_609, %get3A_610] {strides = array<i32>} : memref<1600x32xf32, #tpu.memory_space<vmem>>, vector<1x16xf32>,
        %get3A_612 = vector.shape_cast %get3A_611 : vector<1x16xf32> to vector<16xf32>
        %mul3A_613 = arith.mulf %broadcast_in_dim3A_600, %get3A_608 : vector<16xf32>
        %add3A_614 = arith.addf %add3A_595, %mul3A_613 : vector<16xf32>
        %mul3A_615 = arith.mulf %broadcast_in_dim3A_600, %get3A_612 : vector<16xf32>
        %add3A_616 = arith.addf %add3A_597, %mul3A_615 : vector<16xf32>
        %slice3A_617 = vector.extract_strided_slice %get3A_352 {offsets = [14], sizes = [1], strides = [1]} : vector<16xf32> to vector<1xf32>
        %squeeze3A_618 = vector.extract %slice3A_617[0] : f32 from vector<1xf32>
        %broadcast_in_dim3A_619 = vector.broadcast %squeeze3A_618 : f32 to vector<16xf32>
        %add3A_620 = arith.constant 0 : i32
        %add3A_621 = arith.addi %mul3A_345, %add3A_620 : i32
        %add3A_622 = arith.constant 14 : i32
        %add3A_623 = arith.addi %add3A_621, %add3A_622 : i32
        %get3A_624 = arith.index_cast %add3A_623 : i32 to index
        %get3A_625 = arith.constant 0 : index
        %get3A_626 = tpu.vector_load %arg8[%get3A_624, %get3A_625] {strides = array<i32>} : memref<1600x32xf32, #tpu.memory_space<vmem>>, vector<1x16xf32>,
        %get3A_627 = vector.shape_cast %get3A_626 : vector<1x16xf32> to vector<16xf32>
        %get3A_628 = arith.index_cast %add3A_623 : i32 to index
        %get3A_629 = arith.constant 16 : index
        %get3A_630 = tpu.vector_load %arg8[%get3A_628, %get3A_629] {strides = array<i32>} : memref<1600x32xf32, #tpu.memory_space<vmem>>, vector<1x16xf32>,
        %get3A_631 = vector.shape_cast %get3A_630 : vector<1x16xf32> to vector<16xf32>
        %mul3A_632 = arith.mulf %broadcast_in_dim3A_619, %get3A_627 : vector<16xf32>
        %add3A_633 = arith.addf %add3A_614, %mul3A_632 : vector<16xf32>
        %mul3A_634 = arith.mulf %broadcast_in_dim3A_619, %get3A_631 : vector<16xf32>
        %add3A_635 = arith.addf %add3A_616, %mul3A_634 : vector<16xf32>
        %slice3A_636 = vector.extract_strided_slice %get3A_352 {offsets = [15], sizes = [1], strides = [1]} : vector<16xf32> to vector<1xf32>
        %squeeze3A_637 = vector.extract %slice3A_636[0] : f32 from vector<1xf32>
        %broadcast_in_dim3A_638 = vector.broadcast %squeeze3A_637 : f32 to vector<16xf32>
        %add3A_639 = arith.constant 0 : i32
        %add3A_640 = arith.addi %mul3A_345, %add3A_639 : i32
        %add3A_641 = arith.constant 15 : i32
        %add3A_642 = arith.addi %add3A_640, %add3A_641 : i32
        %get3A_643 = arith.index_cast %add3A_642 : i32 to index
        %get3A_644 = arith.constant 0 : index
        %get3A_645 = tpu.vector_load %arg8[%get3A_643, %get3A_644] {strides = array<i32>} : memref<1600x32xf32, #tpu.memory_space<vmem>>, vector<1x16xf32>,
        %get3A_646 = vector.shape_cast %get3A_645 : vector<1x16xf32> to vector<16xf32>
        %get3A_647 = arith.index_cast %add3A_642 : i32 to index
        %get3A_648 = arith.constant 16 : index
        %get3A_649 = tpu.vector_load %arg8[%get3A_647, %get3A_648] {strides = array<i32>} : memref<1600x32xf32, #tpu.memory_space<vmem>>, vector<1x16xf32>,
        %get3A_650 = vector.shape_cast %get3A_649 : vector<1x16xf32> to vector<16xf32>
        %mul3A_651 = arith.mulf %broadcast_in_dim3A_638, %get3A_646 : vector<16xf32>
        %add3A_652 = arith.addf %add3A_633, %mul3A_651 : vector<16xf32>
        %mul3A_653 = arith.mulf %broadcast_in_dim3A_638, %get3A_650 : vector<16xf32>
        %add3A_654 = arith.addf %add3A_635, %mul3A_653 : vector<16xf32>
        %add3A_655 = arith.constant 16 : i32
        %add3A_656 = arith.addi %mul3A_345, %add3A_655 : i32
        %get3A_657 = arith.index_cast %add3A_656 : i32 to index
        %get3A_658 = tpu.vector_load %arg7[%get3A_657] {strides = array<i32>} : memref<1616xf32, #tpu.memory_space<vmem>>, vector<16xf32>,
        %get3A_659 = vector.shape_cast %get3A_658 : vector<16xf32> to vector<16xf32>
        %slice3A_660 = vector.extract_strided_slice %get3A_659 {offsets = [0], sizes = [1], strides = [1]} : vector<16xf32> to vector<1xf32>
        %squeeze3A_661 = vector.extract %slice3A_660[0] : f32 from vector<1xf32>
        %broadcast_in_dim3A_662 = vector.broadcast %squeeze3A_661 : f32 to vector<16xf32>
        %add3A_663 = arith.constant 16 : i32
        %add3A_664 = arith.addi %mul3A_345, %add3A_663 : i32
        %add3A_665 = arith.constant 0 : i32
        %add3A_666 = arith.addi %add3A_664, %add3A_665 : i32
        %get3A_667 = arith.index_cast %add3A_666 : i32 to index
        %get3A_668 = arith.constant 0 : index
        %get3A_669 = tpu.vector_load %arg8[%get3A_667, %get3A_668] {strides = array<i32>} : memref<1600x32xf32, #tpu.memory_space<vmem>>, vector<1x16xf32>,
        %get3A_670 = vector.shape_cast %get3A_669 : vector<1x16xf32> to vector<16xf32>
        %get3A_671 = arith.index_cast %add3A_666 : i32 to index
        %get3A_672 = arith.constant 16 : index
        %get3A_673 = tpu.vector_load %arg8[%get3A_671, %get3A_672] {strides = array<i32>} : memref<1600x32xf32, #tpu.memory_space<vmem>>, vector<1x16xf32>,
        %get3A_674 = vector.shape_cast %get3A_673 : vector<1x16xf32> to vector<16xf32>
        %mul3A_675 = arith.mulf %broadcast_in_dim3A_662, %get3A_670 : vector<16xf32>
        %add3A_676 = arith.addf %add3A_652, %mul3A_675 : vector<16xf32>
        %mul3A_677 = arith.mulf %broadcast_in_dim3A_662, %get3A_674 : vector<16xf32>
        %add3A_678 = arith.addf %add3A_654, %mul3A_677 : vector<16xf32>
        %slice3A_679 = vector.extract_strided_slice %get3A_659 {offsets = [1], sizes = [1], strides = [1]} : vector<16xf32> to vector<1xf32>
        %squeeze3A_680 = vector.extract %slice3A_679[0] : f32 from vector<1xf32>
        %broadcast_in_dim3A_681 = vector.broadcast %squeeze3A_680 : f32 to vector<16xf32>
        %add3A_682 = arith.constant 16 : i32
        %add3A_683 = arith.addi %mul3A_345, %add3A_682 : i32
        %add3A_684 = arith.constant 1 : i32
        %add3A_685 = arith.addi %add3A_683, %add3A_684 : i32
        %get3A_686 = arith.index_cast %add3A_685 : i32 to index
        %get3A_687 = arith.constant 0 : index
        %get3A_688 = tpu.vector_load %arg8[%get3A_686, %get3A_687] {strides = array<i32>} : memref<1600x32xf32, #tpu.memory_space<vmem>>, vector<1x16xf32>,
        %get3A_689 = vector.shape_cast %get3A_688 : vector<1x16xf32> to vector<16xf32>
        %get3A_690 = arith.index_cast %add3A_685 : i32 to index
        %get3A_691 = arith.constant 16 : index
        %get3A_692 = tpu.vector_load %arg8[%get3A_690, %get3A_691] {strides = array<i32>} : memref<1600x32xf32, #tpu.memory_space<vmem>>, vector<1x16xf32>,
        %get3A_693 = vector.shape_cast %get3A_692 : vector<1x16xf32> to vector<16xf32>
        %mul3A_694 = arith.mulf %broadcast_in_dim3A_681, %get3A_689 : vector<16xf32>
        %add3A_695 = arith.addf %add3A_676, %mul3A_694 : vector<16xf32>
        %mul3A_696 = arith.mulf %broadcast_in_dim3A_681, %get3A_693 : vector<16xf32>
        %add3A_697 = arith.addf %add3A_678, %mul3A_696 : vector<16xf32>
        %slice3A_698 = vector.extract_strided_slice %get3A_659 {offsets = [2], sizes = [1], strides = [1]} : vector<16xf32> to vector<1xf32>
        %squeeze3A_699 = vector.extract %slice3A_698[0] : f32 from vector<1xf32>
        %broadcast_in_dim3A_700 = vector.broadcast %squeeze3A_699 : f32 to vector<16xf32>
        %add3A_701 = arith.constant 16 : i32
        %add3A_702 = arith.addi %mul3A_345, %add3A_701 : i32
        %add3A_703 = arith.constant 2 : i32
        %add3A_704 = arith.addi %add3A_702, %add3A_703 : i32
        %get3A_705 = arith.index_cast %add3A_704 : i32 to index
        %get3A_706 = arith.constant 0 : index
        %get3A_707 = tpu.vector_load %arg8[%get3A_705, %get3A_706] {strides = array<i32>} : memref<1600x32xf32, #tpu.memory_space<vmem>>, vector<1x16xf32>,
        %get3A_708 = vector.shape_cast %get3A_707 : vector<1x16xf32> to vector<16xf32>
        %get3A_709 = arith.index_cast %add3A_704 : i32 to index
        %get3A_710 = arith.constant 16 : index
        %get3A_711 = tpu.vector_load %arg8[%get3A_709, %get3A_710] {strides = array<i32>} : memref<1600x32xf32, #tpu.memory_space<vmem>>, vector<1x16xf32>,
        %get3A_712 = vector.shape_cast %get3A_711 : vector<1x16xf32> to vector<16xf32>
        %mul3A_713 = arith.mulf %broadcast_in_dim3A_700, %get3A_708 : vector<16xf32>
        %add3A_714 = arith.addf %add3A_695, %mul3A_713 : vector<16xf32>
        %mul3A_715 = arith.mulf %broadcast_in_dim3A_700, %get3A_712 : vector<16xf32>
        %add3A_716 = arith.addf %add3A_697, %mul3A_715 : vector<16xf32>
        %slice3A_717 = vector.extract_strided_slice %get3A_659 {offsets = [3], sizes = [1], strides = [1]} : vector<16xf32> to vector<1xf32>
        %squeeze3A_718 = vector.extract %slice3A_717[0] : f32 from vector<1xf32>
        %broadcast_in_dim3A_719 = vector.broadcast %squeeze3A_718 : f32 to vector<16xf32>
        %add3A_720 = arith.constant 16 : i32
        %add3A_721 = arith.addi %mul3A_345, %add3A_720 : i32
        %add3A_722 = arith.constant 3 : i32
        %add3A_723 = arith.addi %add3A_721, %add3A_722 : i32
        %get3A_724 = arith.index_cast %add3A_723 : i32 to index
        %get3A_725 = arith.constant 0 : index
        %get3A_726 = tpu.vector_load %arg8[%get3A_724, %get3A_725] {strides = array<i32>} : memref<1600x32xf32, #tpu.memory_space<vmem>>, vector<1x16xf32>,
        %get3A_727 = vector.shape_cast %get3A_726 : vector<1x16xf32> to vector<16xf32>
        %get3A_728 = arith.index_cast %add3A_723 : i32 to index
        %get3A_729 = arith.constant 16 : index
        %get3A_730 = tpu.vector_load %arg8[%get3A_728, %get3A_729] {strides = array<i32>} : memref<1600x32xf32, #tpu.memory_space<vmem>>, vector<1x16xf32>,
        %get3A_731 = vector.shape_cast %get3A_730 : vector<1x16xf32> to vector<16xf32>
        %mul3A_732 = arith.mulf %broadcast_in_dim3A_719, %get3A_727 : vector<16xf32>
        %add3A_733 = arith.addf %add3A_714, %mul3A_732 : vector<16xf32>
        %mul3A_734 = arith.mulf %broadcast_in_dim3A_719, %get3A_731 : vector<16xf32>
        %add3A_735 = arith.addf %add3A_716, %mul3A_734 : vector<16xf32>
        %slice3A_736 = vector.extract_strided_slice %get3A_659 {offsets = [4], sizes = [1], strides = [1]} : vector<16xf32> to vector<1xf32>
        %squeeze3A_737 = vector.extract %slice3A_736[0] : f32 from vector<1xf32>
        %broadcast_in_dim3A_738 = vector.broadcast %squeeze3A_737 : f32 to vector<16xf32>
        %add3A_739 = arith.constant 16 : i32
        %add3A_740 = arith.addi %mul3A_345, %add3A_739 : i32
        %add3A_741 = arith.constant 4 : i32
        %add3A_742 = arith.addi %add3A_740, %add3A_741 : i32
        %get3A_743 = arith.index_cast %add3A_742 : i32 to index
        %get3A_744 = arith.constant 0 : index
        %get3A_745 = tpu.vector_load %arg8[%get3A_743, %get3A_744] {strides = array<i32>} : memref<1600x32xf32, #tpu.memory_space<vmem>>, vector<1x16xf32>,
        %get3A_746 = vector.shape_cast %get3A_745 : vector<1x16xf32> to vector<16xf32>
        %get3A_747 = arith.index_cast %add3A_742 : i32 to index
        %get3A_748 = arith.constant 16 : index
        %get3A_749 = tpu.vector_load %arg8[%get3A_747, %get3A_748] {strides = array<i32>} : memref<1600x32xf32, #tpu.memory_space<vmem>>, vector<1x16xf32>,
        %get3A_750 = vector.shape_cast %get3A_749 : vector<1x16xf32> to vector<16xf32>
        %mul3A_751 = arith.mulf %broadcast_in_dim3A_738, %get3A_746 : vector<16xf32>
        %add3A_752 = arith.addf %add3A_733, %mul3A_751 : vector<16xf32>
        %mul3A_753 = arith.mulf %broadcast_in_dim3A_738, %get3A_750 : vector<16xf32>
        %add3A_754 = arith.addf %add3A_735, %mul3A_753 : vector<16xf32>
        %slice3A_755 = vector.extract_strided_slice %get3A_659 {offsets = [5], sizes = [1], strides = [1]} : vector<16xf32> to vector<1xf32>
        %squeeze3A_756 = vector.extract %slice3A_755[0] : f32 from vector<1xf32>
        %broadcast_in_dim3A_757 = vector.broadcast %squeeze3A_756 : f32 to vector<16xf32>
        %add3A_758 = arith.constant 16 : i32
        %add3A_759 = arith.addi %mul3A_345, %add3A_758 : i32
        %add3A_760 = arith.constant 5 : i32
        %add3A_761 = arith.addi %add3A_759, %add3A_760 : i32
        %get3A_762 = arith.index_cast %add3A_761 : i32 to index
        %get3A_763 = arith.constant 0 : index
        %get3A_764 = tpu.vector_load %arg8[%get3A_762, %get3A_763] {strides = array<i32>} : memref<1600x32xf32, #tpu.memory_space<vmem>>, vector<1x16xf32>,
        %get3A_765 = vector.shape_cast %get3A_764 : vector<1x16xf32> to vector<16xf32>
        %get3A_766 = arith.index_cast %add3A_761 : i32 to index
        %get3A_767 = arith.constant 16 : index
        %get3A_768 = tpu.vector_load %arg8[%get3A_766, %get3A_767] {strides = array<i32>} : memref<1600x32xf32, #tpu.memory_space<vmem>>, vector<1x16xf32>,
        %get3A_769 = vector.shape_cast %get3A_768 : vector<1x16xf32> to vector<16xf32>
        %mul3A_770 = arith.mulf %broadcast_in_dim3A_757, %get3A_765 : vector<16xf32>
        %add3A_771 = arith.addf %add3A_752, %mul3A_770 : vector<16xf32>
        %mul3A_772 = arith.mulf %broadcast_in_dim3A_757, %get3A_769 : vector<16xf32>
        %add3A_773 = arith.addf %add3A_754, %mul3A_772 : vector<16xf32>
        %slice3A_774 = vector.extract_strided_slice %get3A_659 {offsets = [6], sizes = [1], strides = [1]} : vector<16xf32> to vector<1xf32>
        %squeeze3A_775 = vector.extract %slice3A_774[0] : f32 from vector<1xf32>
        %broadcast_in_dim3A_776 = vector.broadcast %squeeze3A_775 : f32 to vector<16xf32>
        %add3A_777 = arith.constant 16 : i32
        %add3A_778 = arith.addi %mul3A_345, %add3A_777 : i32
        %add3A_779 = arith.constant 6 : i32
        %add3A_780 = arith.addi %add3A_778, %add3A_779 : i32
        %get3A_781 = arith.index_cast %add3A_780 : i32 to index
        %get3A_782 = arith.constant 0 : index
        %get3A_783 = tpu.vector_load %arg8[%get3A_781, %get3A_782] {strides = array<i32>} : memref<1600x32xf32, #tpu.memory_space<vmem>>, vector<1x16xf32>,
        %get3A_784 = vector.shape_cast %get3A_783 : vector<1x16xf32> to vector<16xf32>
        %get3A_785 = arith.index_cast %add3A_780 : i32 to index
        %get3A_786 = arith.constant 16 : index
        %get3A_787 = tpu.vector_load %arg8[%get3A_785, %get3A_786] {strides = array<i32>} : memref<1600x32xf32, #tpu.memory_space<vmem>>, vector<1x16xf32>,
        %get3A_788 = vector.shape_cast %get3A_787 : vector<1x16xf32> to vector<16xf32>
        %mul3A_789 = arith.mulf %broadcast_in_dim3A_776, %get3A_784 : vector<16xf32>
        %add3A_790 = arith.addf %add3A_771, %mul3A_789 : vector<16xf32>
        %mul3A_791 = arith.mulf %broadcast_in_dim3A_776, %get3A_788 : vector<16xf32>
        %add3A_792 = arith.addf %add3A_773, %mul3A_791 : vector<16xf32>
        %slice3A_793 = vector.extract_strided_slice %get3A_659 {offsets = [7], sizes = [1], strides = [1]} : vector<16xf32> to vector<1xf32>
        %squeeze3A_794 = vector.extract %slice3A_793[0] : f32 from vector<1xf32>
        %broadcast_in_dim3A_795 = vector.broadcast %squeeze3A_794 : f32 to vector<16xf32>
        %add3A_796 = arith.constant 16 : i32
        %add3A_797 = arith.addi %mul3A_345, %add3A_796 : i32
        %add3A_798 = arith.constant 7 : i32
        %add3A_799 = arith.addi %add3A_797, %add3A_798 : i32
        %get3A_800 = arith.index_cast %add3A_799 : i32 to index
        %get3A_801 = arith.constant 0 : index
        %get3A_802 = tpu.vector_load %arg8[%get3A_800, %get3A_801] {strides = array<i32>} : memref<1600x32xf32, #tpu.memory_space<vmem>>, vector<1x16xf32>,
        %get3A_803 = vector.shape_cast %get3A_802 : vector<1x16xf32> to vector<16xf32>
        %get3A_804 = arith.index_cast %add3A_799 : i32 to index
        %get3A_805 = arith.constant 16 : index
        %get3A_806 = tpu.vector_load %arg8[%get3A_804, %get3A_805] {strides = array<i32>} : memref<1600x32xf32, #tpu.memory_space<vmem>>, vector<1x16xf32>,
        %get3A_807 = vector.shape_cast %get3A_806 : vector<1x16xf32> to vector<16xf32>
        %mul3A_808 = arith.mulf %broadcast_in_dim3A_795, %get3A_803 : vector<16xf32>
        %add3A_809 = arith.addf %add3A_790, %mul3A_808 : vector<16xf32>
        %mul3A_810 = arith.mulf %broadcast_in_dim3A_795, %get3A_807 : vector<16xf32>
        %add3A_811 = arith.addf %add3A_792, %mul3A_810 : vector<16xf32>
        %slice3A_812 = vector.extract_strided_slice %get3A_659 {offsets = [8], sizes = [1], strides = [1]} : vector<16xf32> to vector<1xf32>
        %squeeze3A_813 = vector.extract %slice3A_812[0] : f32 from vector<1xf32>
        %broadcast_in_dim3A_814 = vector.broadcast %squeeze3A_813 : f32 to vector<16xf32>
        %add3A_815 = arith.constant 16 : i32
        %add3A_816 = arith.addi %mul3A_345, %add3A_815 : i32
        %add3A_817 = arith.constant 8 : i32
        %add3A_818 = arith.addi %add3A_816, %add3A_817 : i32
        %get3A_819 = arith.index_cast %add3A_818 : i32 to index
        %get3A_820 = arith.constant 0 : index
        %get3A_821 = tpu.vector_load %arg8[%get3A_819, %get3A_820] {strides = array<i32>} : memref<1600x32xf32, #tpu.memory_space<vmem>>, vector<1x16xf32>,
        %get3A_822 = vector.shape_cast %get3A_821 : vector<1x16xf32> to vector<16xf32>
        %get3A_823 = arith.index_cast %add3A_818 : i32 to index
        %get3A_824 = arith.constant 16 : index
        %get3A_825 = tpu.vector_load %arg8[%get3A_823, %get3A_824] {strides = array<i32>} : memref<1600x32xf32, #tpu.memory_space<vmem>>, vector<1x16xf32>,
        %get3A_826 = vector.shape_cast %get3A_825 : vector<1x16xf32> to vector<16xf32>
        %mul3A_827 = arith.mulf %broadcast_in_dim3A_814, %get3A_822 : vector<16xf32>
        %add3A_828 = arith.addf %add3A_809, %mul3A_827 : vector<16xf32>
        %mul3A_829 = arith.mulf %broadcast_in_dim3A_814, %get3A_826 : vector<16xf32>
        %add3A_830 = arith.addf %add3A_811, %mul3A_829 : vector<16xf32>
        %slice3A_831 = vector.extract_strided_slice %get3A_659 {offsets = [9], sizes = [1], strides = [1]} : vector<16xf32> to vector<1xf32>
        %squeeze3A_832 = vector.extract %slice3A_831[0] : f32 from vector<1xf32>
        %broadcast_in_dim3A_833 = vector.broadcast %squeeze3A_832 : f32 to vector<16xf32>
        %add3A_834 = arith.constant 16 : i32
        %add3A_835 = arith.addi %mul3A_345, %add3A_834 : i32
        %add3A_836 = arith.constant 9 : i32
        %add3A_837 = arith.addi %add3A_835, %add3A_836 : i32
        %get3A_838 = arith.index_cast %add3A_837 : i32 to index
        %get3A_839 = arith.constant 0 : index
        %get3A_840 = tpu.vector_load %arg8[%get3A_838, %get3A_839] {strides = array<i32>} : memref<1600x32xf32, #tpu.memory_space<vmem>>, vector<1x16xf32>,
        %get3A_841 = vector.shape_cast %get3A_840 : vector<1x16xf32> to vector<16xf32>
        %get3A_842 = arith.index_cast %add3A_837 : i32 to index
        %get3A_843 = arith.constant 16 : index
        %get3A_844 = tpu.vector_load %arg8[%get3A_842, %get3A_843] {strides = array<i32>} : memref<1600x32xf32, #tpu.memory_space<vmem>>, vector<1x16xf32>,
        %get3A_845 = vector.shape_cast %get3A_844 : vector<1x16xf32> to vector<16xf32>
        %mul3A_846 = arith.mulf %broadcast_in_dim3A_833, %get3A_841 : vector<16xf32>
        %add3A_847 = arith.addf %add3A_828, %mul3A_846 : vector<16xf32>
        %mul3A_848 = arith.mulf %broadcast_in_dim3A_833, %get3A_845 : vector<16xf32>
        %add3A_849 = arith.addf %add3A_830, %mul3A_848 : vector<16xf32>
        %slice3A_850 = vector.extract_strided_slice %get3A_659 {offsets = [10], sizes = [1], strides = [1]} : vector<16xf32> to vector<1xf32>
        %squeeze3A_851 = vector.extract %slice3A_850[0] : f32 from vector<1xf32>
        %broadcast_in_dim3A_852 = vector.broadcast %squeeze3A_851 : f32 to vector<16xf32>
        %add3A_853 = arith.constant 16 : i32
        %add3A_854 = arith.addi %mul3A_345, %add3A_853 : i32
        %add3A_855 = arith.constant 10 : i32
        %add3A_856 = arith.addi %add3A_854, %add3A_855 : i32
        %get3A_857 = arith.index_cast %add3A_856 : i32 to index
        %get3A_858 = arith.constant 0 : index
        %get3A_859 = tpu.vector_load %arg8[%get3A_857, %get3A_858] {strides = array<i32>} : memref<1600x32xf32, #tpu.memory_space<vmem>>, vector<1x16xf32>,
        %get3A_860 = vector.shape_cast %get3A_859 : vector<1x16xf32> to vector<16xf32>
        %get3A_861 = arith.index_cast %add3A_856 : i32 to index
        %get3A_862 = arith.constant 16 : index
        %get3A_863 = tpu.vector_load %arg8[%get3A_861, %get3A_862] {strides = array<i32>} : memref<1600x32xf32, #tpu.memory_space<vmem>>, vector<1x16xf32>,
        %get3A_864 = vector.shape_cast %get3A_863 : vector<1x16xf32> to vector<16xf32>
        %mul3A_865 = arith.mulf %broadcast_in_dim3A_852, %get3A_860 : vector<16xf32>
        %add3A_866 = arith.addf %add3A_847, %mul3A_865 : vector<16xf32>
        %mul3A_867 = arith.mulf %broadcast_in_dim3A_852, %get3A_864 : vector<16xf32>
        %add3A_868 = arith.addf %add3A_849, %mul3A_867 : vector<16xf32>
        %slice3A_869 = vector.extract_strided_slice %get3A_659 {offsets = [11], sizes = [1], strides = [1]} : vector<16xf32> to vector<1xf32>
        %squeeze3A_870 = vector.extract %slice3A_869[0] : f32 from vector<1xf32>
        %broadcast_in_dim3A_871 = vector.broadcast %squeeze3A_870 : f32 to vector<16xf32>
        %add3A_872 = arith.constant 16 : i32
        %add3A_873 = arith.addi %mul3A_345, %add3A_872 : i32
        %add3A_874 = arith.constant 11 : i32
        %add3A_875 = arith.addi %add3A_873, %add3A_874 : i32
        %get3A_876 = arith.index_cast %add3A_875 : i32 to index
        %get3A_877 = arith.constant 0 : index
        %get3A_878 = tpu.vector_load %arg8[%get3A_876, %get3A_877] {strides = array<i32>} : memref<1600x32xf32, #tpu.memory_space<vmem>>, vector<1x16xf32>,
        %get3A_879 = vector.shape_cast %get3A_878 : vector<1x16xf32> to vector<16xf32>
        %get3A_880 = arith.index_cast %add3A_875 : i32 to index
        %get3A_881 = arith.constant 16 : index
        %get3A_882 = tpu.vector_load %arg8[%get3A_880, %get3A_881] {strides = array<i32>} : memref<1600x32xf32, #tpu.memory_space<vmem>>, vector<1x16xf32>,
        %get3A_883 = vector.shape_cast %get3A_882 : vector<1x16xf32> to vector<16xf32>
        %mul3A_884 = arith.mulf %broadcast_in_dim3A_871, %get3A_879 : vector<16xf32>
        %add3A_885 = arith.addf %add3A_866, %mul3A_884 : vector<16xf32>
        %mul3A_886 = arith.mulf %broadcast_in_dim3A_871, %get3A_883 : vector<16xf32>
        %add3A_887 = arith.addf %add3A_868, %mul3A_886 : vector<16xf32>
        %slice3A_888 = vector.extract_strided_slice %get3A_659 {offsets = [12], sizes = [1], strides = [1]} : vector<16xf32> to vector<1xf32>
        %squeeze3A_889 = vector.extract %slice3A_888[0] : f32 from vector<1xf32>
        %broadcast_in_dim3A_890 = vector.broadcast %squeeze3A_889 : f32 to vector<16xf32>
        %add3A_891 = arith.constant 16 : i32
        %add3A_892 = arith.addi %mul3A_345, %add3A_891 : i32
        %add3A_893 = arith.constant 12 : i32
        %add3A_894 = arith.addi %add3A_892, %add3A_893 : i32
        %get3A_895 = arith.index_cast %add3A_894 : i32 to index
        %get3A_896 = arith.constant 0 : index
        %get3A_897 = tpu.vector_load %arg8[%get3A_895, %get3A_896] {strides = array<i32>} : memref<1600x32xf32, #tpu.memory_space<vmem>>, vector<1x16xf32>,
        %get3A_898 = vector.shape_cast %get3A_897 : vector<1x16xf32> to vector<16xf32>
        %get3A_899 = arith.index_cast %add3A_894 : i32 to index
        %get3A_900 = arith.constant 16 : index
        %get3A_901 = tpu.vector_load %arg8[%get3A_899, %get3A_900] {strides = array<i32>} : memref<1600x32xf32, #tpu.memory_space<vmem>>, vector<1x16xf32>,
        %get3A_902 = vector.shape_cast %get3A_901 : vector<1x16xf32> to vector<16xf32>
        %mul3A_903 = arith.mulf %broadcast_in_dim3A_890, %get3A_898 : vector<16xf32>
        %add3A_904 = arith.addf %add3A_885, %mul3A_903 : vector<16xf32>
        %mul3A_905 = arith.mulf %broadcast_in_dim3A_890, %get3A_902 : vector<16xf32>
        %add3A_906 = arith.addf %add3A_887, %mul3A_905 : vector<16xf32>
        %slice3A_907 = vector.extract_strided_slice %get3A_659 {offsets = [13], sizes = [1], strides = [1]} : vector<16xf32> to vector<1xf32>
        %squeeze3A_908 = vector.extract %slice3A_907[0] : f32 from vector<1xf32>
        %broadcast_in_dim3A_909 = vector.broadcast %squeeze3A_908 : f32 to vector<16xf32>
        %add3A_910 = arith.constant 16 : i32
        %add3A_911 = arith.addi %mul3A_345, %add3A_910 : i32
        %add3A_912 = arith.constant 13 : i32
        %add3A_913 = arith.addi %add3A_911, %add3A_912 : i32
        %get3A_914 = arith.index_cast %add3A_913 : i32 to index
        %get3A_915 = arith.constant 0 : index
        %get3A_916 = tpu.vector_load %arg8[%get3A_914, %get3A_915] {strides = array<i32>} : memref<1600x32xf32, #tpu.memory_space<vmem>>, vector<1x16xf32>,
        %get3A_917 = vector.shape_cast %get3A_916 : vector<1x16xf32> to vector<16xf32>
        %get3A_918 = arith.index_cast %add3A_913 : i32 to index
        %get3A_919 = arith.constant 16 : index
        %get3A_920 = tpu.vector_load %arg8[%get3A_918, %get3A_919] {strides = array<i32>} : memref<1600x32xf32, #tpu.memory_space<vmem>>, vector<1x16xf32>,
        %get3A_921 = vector.shape_cast %get3A_920 : vector<1x16xf32> to vector<16xf32>
        %mul3A_922 = arith.mulf %broadcast_in_dim3A_909, %get3A_917 : vector<16xf32>
        %add3A_923 = arith.addf %add3A_904, %mul3A_922 : vector<16xf32>
        %mul3A_924 = arith.mulf %broadcast_in_dim3A_909, %get3A_921 : vector<16xf32>
        %add3A_925 = arith.addf %add3A_906, %mul3A_924 : vector<16xf32>
        %slice3A_926 = vector.extract_strided_slice %get3A_659 {offsets = [14], sizes = [1], strides = [1]} : vector<16xf32> to vector<1xf32>
        %squeeze3A_927 = vector.extract %slice3A_926[0] : f32 from vector<1xf32>
        %broadcast_in_dim3A_928 = vector.broadcast %squeeze3A_927 : f32 to vector<16xf32>
        %add3A_929 = arith.constant 16 : i32
        %add3A_930 = arith.addi %mul3A_345, %add3A_929 : i32
        %add3A_931 = arith.constant 14 : i32
        %add3A_932 = arith.addi %add3A_930, %add3A_931 : i32
        %get3A_933 = arith.index_cast %add3A_932 : i32 to index
        %get3A_934 = arith.constant 0 : index
        %get3A_935 = tpu.vector_load %arg8[%get3A_933, %get3A_934] {strides = array<i32>} : memref<1600x32xf32, #tpu.memory_space<vmem>>, vector<1x16xf32>,
        %get3A_936 = vector.shape_cast %get3A_935 : vector<1x16xf32> to vector<16xf32>
        %get3A_937 = arith.index_cast %add3A_932 : i32 to index
        %get3A_938 = arith.constant 16 : index
        %get3A_939 = tpu.vector_load %arg8[%get3A_937, %get3A_938] {strides = array<i32>} : memref<1600x32xf32, #tpu.memory_space<vmem>>, vector<1x16xf32>,
        %get3A_940 = vector.shape_cast %get3A_939 : vector<1x16xf32> to vector<16xf32>
        %mul3A_941 = arith.mulf %broadcast_in_dim3A_928, %get3A_936 : vector<16xf32>
        %add3A_942 = arith.addf %add3A_923, %mul3A_941 : vector<16xf32>
        %mul3A_943 = arith.mulf %broadcast_in_dim3A_928, %get3A_940 : vector<16xf32>
        %add3A_944 = arith.addf %add3A_925, %mul3A_943 : vector<16xf32>
        %slice3A_945 = vector.extract_strided_slice %get3A_659 {offsets = [15], sizes = [1], strides = [1]} : vector<16xf32> to vector<1xf32>
        %squeeze3A_946 = vector.extract %slice3A_945[0] : f32 from vector<1xf32>
        %broadcast_in_dim3A_947 = vector.broadcast %squeeze3A_946 : f32 to vector<16xf32>
        %add3A_948 = arith.constant 16 : i32
        %add3A_949 = arith.addi %mul3A_345, %add3A_948 : i32
        %add3A_950 = arith.constant 15 : i32
        %add3A_951 = arith.addi %add3A_949, %add3A_950 : i32
        %get3A_952 = arith.index_cast %add3A_951 : i32 to index
        %get3A_953 = arith.constant 0 : index
        %get3A_954 = tpu.vector_load %arg8[%get3A_952, %get3A_953] {strides = array<i32>} : memref<1600x32xf32, #tpu.memory_space<vmem>>, vector<1x16xf32>,
        %get3A_955 = vector.shape_cast %get3A_954 : vector<1x16xf32> to vector<16xf32>
        %get3A_956 = arith.index_cast %add3A_951 : i32 to index
        %get3A_957 = arith.constant 16 : index
        %get3A_958 = tpu.vector_load %arg8[%get3A_956, %get3A_957] {strides = array<i32>} : memref<1600x32xf32, #tpu.memory_space<vmem>>, vector<1x16xf32>,
        %get3A_959 = vector.shape_cast %get3A_958 : vector<1x16xf32> to vector<16xf32>
        %mul3A_960 = arith.mulf %broadcast_in_dim3A_947, %get3A_955 : vector<16xf32>
        %add3A_961 = arith.addf %add3A_942, %mul3A_960 : vector<16xf32>
        %mul3A_962 = arith.mulf %broadcast_in_dim3A_947, %get3A_959 : vector<16xf32>
        %add3A_963 = arith.addf %add3A_944, %mul3A_962 : vector<16xf32>
        %add3A_964 = arith.constant 32 : i32
        %add3A_965 = arith.addi %mul3A_345, %add3A_964 : i32
        %get3A_966 = arith.index_cast %add3A_965 : i32 to index
        %get3A_967 = tpu.vector_load %arg7[%get3A_966] {strides = array<i32>} : memref<1616xf32, #tpu.memory_space<vmem>>, vector<16xf32>,
        %get3A_968 = vector.shape_cast %get3A_967 : vector<16xf32> to vector<16xf32>
        %slice3A_969 = vector.extract_strided_slice %get3A_968 {offsets = [0], sizes = [1], strides = [1]} : vector<16xf32> to vector<1xf32>
        %squeeze3A_970 = vector.extract %slice3A_969[0] : f32 from vector<1xf32>
        %broadcast_in_dim3A_971 = vector.broadcast %squeeze3A_970 : f32 to vector<16xf32>
        %add3A_972 = arith.constant 32 : i32
        %add3A_973 = arith.addi %mul3A_345, %add3A_972 : i32
        %add3A_974 = arith.constant 0 : i32
        %add3A_975 = arith.addi %add3A_973, %add3A_974 : i32
        %get3A_976 = arith.index_cast %add3A_975 : i32 to index
        %get3A_977 = arith.constant 0 : index
        %get3A_978 = tpu.vector_load %arg8[%get3A_976, %get3A_977] {strides = array<i32>} : memref<1600x32xf32, #tpu.memory_space<vmem>>, vector<1x16xf32>,
        %get3A_979 = vector.shape_cast %get3A_978 : vector<1x16xf32> to vector<16xf32>
        %get3A_980 = arith.index_cast %add3A_975 : i32 to index
        %get3A_981 = arith.constant 16 : index
        %get3A_982 = tpu.vector_load %arg8[%get3A_980, %get3A_981] {strides = array<i32>} : memref<1600x32xf32, #tpu.memory_space<vmem>>, vector<1x16xf32>,
        %get3A_983 = vector.shape_cast %get3A_982 : vector<1x16xf32> to vector<16xf32>
        %mul3A_984 = arith.mulf %broadcast_in_dim3A_971, %get3A_979 : vector<16xf32>
        %add3A_985 = arith.addf %add3A_961, %mul3A_984 : vector<16xf32>
        %mul3A_986 = arith.mulf %broadcast_in_dim3A_971, %get3A_983 : vector<16xf32>
        %add3A_987 = arith.addf %add3A_963, %mul3A_986 : vector<16xf32>
        %slice3A_988 = vector.extract_strided_slice %get3A_968 {offsets = [1], sizes = [1], strides = [1]} : vector<16xf32> to vector<1xf32>
        %squeeze3A_989 = vector.extract %slice3A_988[0] : f32 from vector<1xf32>
        %broadcast_in_dim3A_990 = vector.broadcast %squeeze3A_989 : f32 to vector<16xf32>
        %add3A_991 = arith.constant 32 : i32
        %add3A_992 = arith.addi %mul3A_345, %add3A_991 : i32
        %add3A_993 = arith.constant 1 : i32
        %add3A_994 = arith.addi %add3A_992, %add3A_993 : i32
        %get3A_995 = arith.index_cast %add3A_994 : i32 to index
        %get3A_996 = arith.constant 0 : index
        %get3A_997 = tpu.vector_load %arg8[%get3A_995, %get3A_996] {strides = array<i32>} : memref<1600x32xf32, #tpu.memory_space<vmem>>, vector<1x16xf32>,
        %get3A_998 = vector.shape_cast %get3A_997 : vector<1x16xf32> to vector<16xf32>
        %get3A_999 = arith.index_cast %add3A_994 : i32 to index
        %get3A_1000 = arith.constant 16 : index
        %get3A_1001 = tpu.vector_load %arg8[%get3A_999, %get3A_1000] {strides = array<i32>} : memref<1600x32xf32, #tpu.memory_space<vmem>>, vector<1x16xf32>,
        %get3A_1002 = vector.shape_cast %get3A_1001 : vector<1x16xf32> to vector<16xf32>
        %mul3A_1003 = arith.mulf %broadcast_in_dim3A_990, %get3A_998 : vector<16xf32>
        %add3A_1004 = arith.addf %add3A_985, %mul3A_1003 : vector<16xf32>
        %mul3A_1005 = arith.mulf %broadcast_in_dim3A_990, %get3A_1002 : vector<16xf32>
        %add3A_1006 = arith.addf %add3A_987, %mul3A_1005 : vector<16xf32>
        %slice3A_1007 = vector.extract_strided_slice %get3A_968 {offsets = [2], sizes = [1], strides = [1]} : vector<16xf32> to vector<1xf32>
        %squeeze3A_1008 = vector.extract %slice3A_1007[0] : f32 from vector<1xf32>
        %broadcast_in_dim3A_1009 = vector.broadcast %squeeze3A_1008 : f32 to vector<16xf32>
        %add3A_1010 = arith.constant 32 : i32
        %add3A_1011 = arith.addi %mul3A_345, %add3A_1010 : i32
        %add3A_1012 = arith.constant 2 : i32
        %add3A_1013 = arith.addi %add3A_1011, %add3A_1012 : i32
        %get3A_1014 = arith.index_cast %add3A_1013 : i32 to index
        %get3A_1015 = arith.constant 0 : index
        %get3A_1016 = tpu.vector_load %arg8[%get3A_1014, %get3A_1015] {strides = array<i32>} : memref<1600x32xf32, #tpu.memory_space<vmem>>, vector<1x16xf32>,
        %get3A_1017 = vector.shape_cast %get3A_1016 : vector<1x16xf32> to vector<16xf32>
        %get3A_1018 = arith.index_cast %add3A_1013 : i32 to index
        %get3A_1019 = arith.constant 16 : index
        %get3A_1020 = tpu.vector_load %arg8[%get3A_1018, %get3A_1019] {strides = array<i32>} : memref<1600x32xf32, #tpu.memory_space<vmem>>, vector<1x16xf32>,
        %get3A_1021 = vector.shape_cast %get3A_1020 : vector<1x16xf32> to vector<16xf32>
        %mul3A_1022 = arith.mulf %broadcast_in_dim3A_1009, %get3A_1017 : vector<16xf32>
        %add3A_1023 = arith.addf %add3A_1004, %mul3A_1022 : vector<16xf32>
        %mul3A_1024 = arith.mulf %broadcast_in_dim3A_1009, %get3A_1021 : vector<16xf32>
        %add3A_1025 = arith.addf %add3A_1006, %mul3A_1024 : vector<16xf32>
        %slice3A_1026 = vector.extract_strided_slice %get3A_968 {offsets = [3], sizes = [1], strides = [1]} : vector<16xf32> to vector<1xf32>
        %squeeze3A_1027 = vector.extract %slice3A_1026[0] : f32 from vector<1xf32>
        %broadcast_in_dim3A_1028 = vector.broadcast %squeeze3A_1027 : f32 to vector<16xf32>
        %add3A_1029 = arith.constant 32 : i32
        %add3A_1030 = arith.addi %mul3A_345, %add3A_1029 : i32
        %add3A_1031 = arith.constant 3 : i32
        %add3A_1032 = arith.addi %add3A_1030, %add3A_1031 : i32
        %get3A_1033 = arith.index_cast %add3A_1032 : i32 to index
        %get3A_1034 = arith.constant 0 : index
        %get3A_1035 = tpu.vector_load %arg8[%get3A_1033, %get3A_1034] {strides = array<i32>} : memref<1600x32xf32, #tpu.memory_space<vmem>>, vector<1x16xf32>,
        %get3A_1036 = vector.shape_cast %get3A_1035 : vector<1x16xf32> to vector<16xf32>
        %get3A_1037 = arith.index_cast %add3A_1032 : i32 to index
        %get3A_1038 = arith.constant 16 : index
        %get3A_1039 = tpu.vector_load %arg8[%get3A_1037, %get3A_1038] {strides = array<i32>} : memref<1600x32xf32, #tpu.memory_space<vmem>>, vector<1x16xf32>,
        %get3A_1040 = vector.shape_cast %get3A_1039 : vector<1x16xf32> to vector<16xf32>
        %mul3A_1041 = arith.mulf %broadcast_in_dim3A_1028, %get3A_1036 : vector<16xf32>
        %add3A_1042 = arith.addf %add3A_1023, %mul3A_1041 : vector<16xf32>
        %mul3A_1043 = arith.mulf %broadcast_in_dim3A_1028, %get3A_1040 : vector<16xf32>
        %add3A_1044 = arith.addf %add3A_1025, %mul3A_1043 : vector<16xf32>
        %slice3A_1045 = vector.extract_strided_slice %get3A_968 {offsets = [4], sizes = [1], strides = [1]} : vector<16xf32> to vector<1xf32>
        %squeeze3A_1046 = vector.extract %slice3A_1045[0] : f32 from vector<1xf32>
        %broadcast_in_dim3A_1047 = vector.broadcast %squeeze3A_1046 : f32 to vector<16xf32>
        %add3A_1048 = arith.constant 32 : i32
        %add3A_1049 = arith.addi %mul3A_345, %add3A_1048 : i32
        %add3A_1050 = arith.constant 4 : i32
        %add3A_1051 = arith.addi %add3A_1049, %add3A_1050 : i32
        %get3A_1052 = arith.index_cast %add3A_1051 : i32 to index
        %get3A_1053 = arith.constant 0 : index
        %get3A_1054 = tpu.vector_load %arg8[%get3A_1052, %get3A_1053] {strides = array<i32>} : memref<1600x32xf32, #tpu.memory_space<vmem>>, vector<1x16xf32>,
        %get3A_1055 = vector.shape_cast %get3A_1054 : vector<1x16xf32> to vector<16xf32>
        %get3A_1056 = arith.index_cast %add3A_1051 : i32 to index
        %get3A_1057 = arith.constant 16 : index
        %get3A_1058 = tpu.vector_load %arg8[%get3A_1056, %get3A_1057] {strides = array<i32>} : memref<1600x32xf32, #tpu.memory_space<vmem>>, vector<1x16xf32>,
        %get3A_1059 = vector.shape_cast %get3A_1058 : vector<1x16xf32> to vector<16xf32>
        %mul3A_1060 = arith.mulf %broadcast_in_dim3A_1047, %get3A_1055 : vector<16xf32>
        %add3A_1061 = arith.addf %add3A_1042, %mul3A_1060 : vector<16xf32>
        %mul3A_1062 = arith.mulf %broadcast_in_dim3A_1047, %get3A_1059 : vector<16xf32>
        %add3A_1063 = arith.addf %add3A_1044, %mul3A_1062 : vector<16xf32>
        %slice3A_1064 = vector.extract_strided_slice %get3A_968 {offsets = [5], sizes = [1], strides = [1]} : vector<16xf32> to vector<1xf32>
        %squeeze3A_1065 = vector.extract %slice3A_1064[0] : f32 from vector<1xf32>
        %broadcast_in_dim3A_1066 = vector.broadcast %squeeze3A_1065 : f32 to vector<16xf32>
        %add3A_1067 = arith.constant 32 : i32
        %add3A_1068 = arith.addi %mul3A_345, %add3A_1067 : i32
        %add3A_1069 = arith.constant 5 : i32
        %add3A_1070 = arith.addi %add3A_1068, %add3A_1069 : i32
        %get3A_1071 = arith.index_cast %add3A_1070 : i32 to index
        %get3A_1072 = arith.constant 0 : index
        %get3A_1073 = tpu.vector_load %arg8[%get3A_1071, %get3A_1072] {strides = array<i32>} : memref<1600x32xf32, #tpu.memory_space<vmem>>, vector<1x16xf32>,
        %get3A_1074 = vector.shape_cast %get3A_1073 : vector<1x16xf32> to vector<16xf32>
        %get3A_1075 = arith.index_cast %add3A_1070 : i32 to index
        %get3A_1076 = arith.constant 16 : index
        %get3A_1077 = tpu.vector_load %arg8[%get3A_1075, %get3A_1076] {strides = array<i32>} : memref<1600x32xf32, #tpu.memory_space<vmem>>, vector<1x16xf32>,
        %get3A_1078 = vector.shape_cast %get3A_1077 : vector<1x16xf32> to vector<16xf32>
        %mul3A_1079 = arith.mulf %broadcast_in_dim3A_1066, %get3A_1074 : vector<16xf32>
        %add3A_1080 = arith.addf %add3A_1061, %mul3A_1079 : vector<16xf32>
        %mul3A_1081 = arith.mulf %broadcast_in_dim3A_1066, %get3A_1078 : vector<16xf32>
        %add3A_1082 = arith.addf %add3A_1063, %mul3A_1081 : vector<16xf32>
        %slice3A_1083 = vector.extract_strided_slice %get3A_968 {offsets = [6], sizes = [1], strides = [1]} : vector<16xf32> to vector<1xf32>
        %squeeze3A_1084 = vector.extract %slice3A_1083[0] : f32 from vector<1xf32>
        %broadcast_in_dim3A_1085 = vector.broadcast %squeeze3A_1084 : f32 to vector<16xf32>
        %add3A_1086 = arith.constant 32 : i32
        %add3A_1087 = arith.addi %mul3A_345, %add3A_1086 : i32
        %add3A_1088 = arith.constant 6 : i32
        %add3A_1089 = arith.addi %add3A_1087, %add3A_1088 : i32
        %get3A_1090 = arith.index_cast %add3A_1089 : i32 to index
        %get3A_1091 = arith.constant 0 : index
        %get3A_1092 = tpu.vector_load %arg8[%get3A_1090, %get3A_1091] {strides = array<i32>} : memref<1600x32xf32, #tpu.memory_space<vmem>>, vector<1x16xf32>,
        %get3A_1093 = vector.shape_cast %get3A_1092 : vector<1x16xf32> to vector<16xf32>
        %get3A_1094 = arith.index_cast %add3A_1089 : i32 to index
        %get3A_1095 = arith.constant 16 : index
        %get3A_1096 = tpu.vector_load %arg8[%get3A_1094, %get3A_1095] {strides = array<i32>} : memref<1600x32xf32, #tpu.memory_space<vmem>>, vector<1x16xf32>,
        %get3A_1097 = vector.shape_cast %get3A_1096 : vector<1x16xf32> to vector<16xf32>
        %mul3A_1098 = arith.mulf %broadcast_in_dim3A_1085, %get3A_1093 : vector<16xf32>
        %add3A_1099 = arith.addf %add3A_1080, %mul3A_1098 : vector<16xf32>
        %mul3A_1100 = arith.mulf %broadcast_in_dim3A_1085, %get3A_1097 : vector<16xf32>
        %add3A_1101 = arith.addf %add3A_1082, %mul3A_1100 : vector<16xf32>
        %slice3A_1102 = vector.extract_strided_slice %get3A_968 {offsets = [7], sizes = [1], strides = [1]} : vector<16xf32> to vector<1xf32>
        %squeeze3A_1103 = vector.extract %slice3A_1102[0] : f32 from vector<1xf32>
        %broadcast_in_dim3A_1104 = vector.broadcast %squeeze3A_1103 : f32 to vector<16xf32>
        %add3A_1105 = arith.constant 32 : i32
        %add3A_1106 = arith.addi %mul3A_345, %add3A_1105 : i32
        %add3A_1107 = arith.constant 7 : i32
        %add3A_1108 = arith.addi %add3A_1106, %add3A_1107 : i32
        %get3A_1109 = arith.index_cast %add3A_1108 : i32 to index
        %get3A_1110 = arith.constant 0 : index
        %get3A_1111 = tpu.vector_load %arg8[%get3A_1109, %get3A_1110] {strides = array<i32>} : memref<1600x32xf32, #tpu.memory_space<vmem>>, vector<1x16xf32>,
        %get3A_1112 = vector.shape_cast %get3A_1111 : vector<1x16xf32> to vector<16xf32>
        %get3A_1113 = arith.index_cast %add3A_1108 : i32 to index
        %get3A_1114 = arith.constant 16 : index
        %get3A_1115 = tpu.vector_load %arg8[%get3A_1113, %get3A_1114] {strides = array<i32>} : memref<1600x32xf32, #tpu.memory_space<vmem>>, vector<1x16xf32>,
        %get3A_1116 = vector.shape_cast %get3A_1115 : vector<1x16xf32> to vector<16xf32>
        %mul3A_1117 = arith.mulf %broadcast_in_dim3A_1104, %get3A_1112 : vector<16xf32>
        %add3A_1118 = arith.addf %add3A_1099, %mul3A_1117 : vector<16xf32>
        %mul3A_1119 = arith.mulf %broadcast_in_dim3A_1104, %get3A_1116 : vector<16xf32>
        %add3A_1120 = arith.addf %add3A_1101, %mul3A_1119 : vector<16xf32>
        %slice3A_1121 = vector.extract_strided_slice %get3A_968 {offsets = [8], sizes = [1], strides = [1]} : vector<16xf32> to vector<1xf32>
        %squeeze3A_1122 = vector.extract %slice3A_1121[0] : f32 from vector<1xf32>
        %broadcast_in_dim3A_1123 = vector.broadcast %squeeze3A_1122 : f32 to vector<16xf32>
        %add3A_1124 = arith.constant 32 : i32
        %add3A_1125 = arith.addi %mul3A_345, %add3A_1124 : i32
        %add3A_1126 = arith.constant 8 : i32
        %add3A_1127 = arith.addi %add3A_1125, %add3A_1126 : i32
        %get3A_1128 = arith.index_cast %add3A_1127 : i32 to index
        %get3A_1129 = arith.constant 0 : index
        %get3A_1130 = tpu.vector_load %arg8[%get3A_1128, %get3A_1129] {strides = array<i32>} : memref<1600x32xf32, #tpu.memory_space<vmem>>, vector<1x16xf32>,
        %get3A_1131 = vector.shape_cast %get3A_1130 : vector<1x16xf32> to vector<16xf32>
        %get3A_1132 = arith.index_cast %add3A_1127 : i32 to index
        %get3A_1133 = arith.constant 16 : index
        %get3A_1134 = tpu.vector_load %arg8[%get3A_1132, %get3A_1133] {strides = array<i32>} : memref<1600x32xf32, #tpu.memory_space<vmem>>, vector<1x16xf32>,
        %get3A_1135 = vector.shape_cast %get3A_1134 : vector<1x16xf32> to vector<16xf32>
        %mul3A_1136 = arith.mulf %broadcast_in_dim3A_1123, %get3A_1131 : vector<16xf32>
        %add3A_1137 = arith.addf %add3A_1118, %mul3A_1136 : vector<16xf32>
        %mul3A_1138 = arith.mulf %broadcast_in_dim3A_1123, %get3A_1135 : vector<16xf32>
        %add3A_1139 = arith.addf %add3A_1120, %mul3A_1138 : vector<16xf32>
        %slice3A_1140 = vector.extract_strided_slice %get3A_968 {offsets = [9], sizes = [1], strides = [1]} : vector<16xf32> to vector<1xf32>
        %squeeze3A_1141 = vector.extract %slice3A_1140[0] : f32 from vector<1xf32>
        %broadcast_in_dim3A_1142 = vector.broadcast %squeeze3A_1141 : f32 to vector<16xf32>
        %add3A_1143 = arith.constant 32 : i32
        %add3A_1144 = arith.addi %mul3A_345, %add3A_1143 : i32
        %add3A_1145 = arith.constant 9 : i32
        %add3A_1146 = arith.addi %add3A_1144, %add3A_1145 : i32
        %get3A_1147 = arith.index_cast %add3A_1146 : i32 to index
        %get3A_1148 = arith.constant 0 : index
        %get3A_1149 = tpu.vector_load %arg8[%get3A_1147, %get3A_1148] {strides = array<i32>} : memref<1600x32xf32, #tpu.memory_space<vmem>>, vector<1x16xf32>,
        %get3A_1150 = vector.shape_cast %get3A_1149 : vector<1x16xf32> to vector<16xf32>
        %get3A_1151 = arith.index_cast %add3A_1146 : i32 to index
        %get3A_1152 = arith.constant 16 : index
        %get3A_1153 = tpu.vector_load %arg8[%get3A_1151, %get3A_1152] {strides = array<i32>} : memref<1600x32xf32, #tpu.memory_space<vmem>>, vector<1x16xf32>,
        %get3A_1154 = vector.shape_cast %get3A_1153 : vector<1x16xf32> to vector<16xf32>
        %mul3A_1155 = arith.mulf %broadcast_in_dim3A_1142, %get3A_1150 : vector<16xf32>
        %add3A_1156 = arith.addf %add3A_1137, %mul3A_1155 : vector<16xf32>
        %mul3A_1157 = arith.mulf %broadcast_in_dim3A_1142, %get3A_1154 : vector<16xf32>
        %add3A_1158 = arith.addf %add3A_1139, %mul3A_1157 : vector<16xf32>
        %slice3A_1159 = vector.extract_strided_slice %get3A_968 {offsets = [10], sizes = [1], strides = [1]} : vector<16xf32> to vector<1xf32>
        %squeeze3A_1160 = vector.extract %slice3A_1159[0] : f32 from vector<1xf32>
        %broadcast_in_dim3A_1161 = vector.broadcast %squeeze3A_1160 : f32 to vector<16xf32>
        %add3A_1162 = arith.constant 32 : i32
        %add3A_1163 = arith.addi %mul3A_345, %add3A_1162 : i32
        %add3A_1164 = arith.constant 10 : i32
        %add3A_1165 = arith.addi %add3A_1163, %add3A_1164 : i32
        %get3A_1166 = arith.index_cast %add3A_1165 : i32 to index
        %get3A_1167 = arith.constant 0 : index
        %get3A_1168 = tpu.vector_load %arg8[%get3A_1166, %get3A_1167] {strides = array<i32>} : memref<1600x32xf32, #tpu.memory_space<vmem>>, vector<1x16xf32>,
        %get3A_1169 = vector.shape_cast %get3A_1168 : vector<1x16xf32> to vector<16xf32>
        %get3A_1170 = arith.index_cast %add3A_1165 : i32 to index
        %get3A_1171 = arith.constant 16 : index
        %get3A_1172 = tpu.vector_load %arg8[%get3A_1170, %get3A_1171] {strides = array<i32>} : memref<1600x32xf32, #tpu.memory_space<vmem>>, vector<1x16xf32>,
        %get3A_1173 = vector.shape_cast %get3A_1172 : vector<1x16xf32> to vector<16xf32>
        %mul3A_1174 = arith.mulf %broadcast_in_dim3A_1161, %get3A_1169 : vector<16xf32>
        %add3A_1175 = arith.addf %add3A_1156, %mul3A_1174 : vector<16xf32>
        %mul3A_1176 = arith.mulf %broadcast_in_dim3A_1161, %get3A_1173 : vector<16xf32>
        %add3A_1177 = arith.addf %add3A_1158, %mul3A_1176 : vector<16xf32>
        %slice3A_1178 = vector.extract_strided_slice %get3A_968 {offsets = [11], sizes = [1], strides = [1]} : vector<16xf32> to vector<1xf32>
        %squeeze3A_1179 = vector.extract %slice3A_1178[0] : f32 from vector<1xf32>
        %broadcast_in_dim3A_1180 = vector.broadcast %squeeze3A_1179 : f32 to vector<16xf32>
        %add3A_1181 = arith.constant 32 : i32
        %add3A_1182 = arith.addi %mul3A_345, %add3A_1181 : i32
        %add3A_1183 = arith.constant 11 : i32
        %add3A_1184 = arith.addi %add3A_1182, %add3A_1183 : i32
        %get3A_1185 = arith.index_cast %add3A_1184 : i32 to index
        %get3A_1186 = arith.constant 0 : index
        %get3A_1187 = tpu.vector_load %arg8[%get3A_1185, %get3A_1186] {strides = array<i32>} : memref<1600x32xf32, #tpu.memory_space<vmem>>, vector<1x16xf32>,
        %get3A_1188 = vector.shape_cast %get3A_1187 : vector<1x16xf32> to vector<16xf32>
        %get3A_1189 = arith.index_cast %add3A_1184 : i32 to index
        %get3A_1190 = arith.constant 16 : index
        %get3A_1191 = tpu.vector_load %arg8[%get3A_1189, %get3A_1190] {strides = array<i32>} : memref<1600x32xf32, #tpu.memory_space<vmem>>, vector<1x16xf32>,
        %get3A_1192 = vector.shape_cast %get3A_1191 : vector<1x16xf32> to vector<16xf32>
        %mul3A_1193 = arith.mulf %broadcast_in_dim3A_1180, %get3A_1188 : vector<16xf32>
        %add3A_1194 = arith.addf %add3A_1175, %mul3A_1193 : vector<16xf32>
        %mul3A_1195 = arith.mulf %broadcast_in_dim3A_1180, %get3A_1192 : vector<16xf32>
        %add3A_1196 = arith.addf %add3A_1177, %mul3A_1195 : vector<16xf32>
        %slice3A_1197 = vector.extract_strided_slice %get3A_968 {offsets = [12], sizes = [1], strides = [1]} : vector<16xf32> to vector<1xf32>
        %squeeze3A_1198 = vector.extract %slice3A_1197[0] : f32 from vector<1xf32>
        %broadcast_in_dim3A_1199 = vector.broadcast %squeeze3A_1198 : f32 to vector<16xf32>
        %add3A_1200 = arith.constant 32 : i32
        %add3A_1201 = arith.addi %mul3A_345, %add3A_1200 : i32
        %add3A_1202 = arith.constant 12 : i32
        %add3A_1203 = arith.addi %add3A_1201, %add3A_1202 : i32
        %get3A_1204 = arith.index_cast %add3A_1203 : i32 to index
        %get3A_1205 = arith.constant 0 : index
        %get3A_1206 = tpu.vector_load %arg8[%get3A_1204, %get3A_1205] {strides = array<i32>} : memref<1600x32xf32, #tpu.memory_space<vmem>>, vector<1x16xf32>,
        %get3A_1207 = vector.shape_cast %get3A_1206 : vector<1x16xf32> to vector<16xf32>
        %get3A_1208 = arith.index_cast %add3A_1203 : i32 to index
        %get3A_1209 = arith.constant 16 : index
        %get3A_1210 = tpu.vector_load %arg8[%get3A_1208, %get3A_1209] {strides = array<i32>} : memref<1600x32xf32, #tpu.memory_space<vmem>>, vector<1x16xf32>,
        %get3A_1211 = vector.shape_cast %get3A_1210 : vector<1x16xf32> to vector<16xf32>
        %mul3A_1212 = arith.mulf %broadcast_in_dim3A_1199, %get3A_1207 : vector<16xf32>
        %add3A_1213 = arith.addf %add3A_1194, %mul3A_1212 : vector<16xf32>
        %mul3A_1214 = arith.mulf %broadcast_in_dim3A_1199, %get3A_1211 : vector<16xf32>
        %add3A_1215 = arith.addf %add3A_1196, %mul3A_1214 : vector<16xf32>
        %slice3A_1216 = vector.extract_strided_slice %get3A_968 {offsets = [13], sizes = [1], strides = [1]} : vector<16xf32> to vector<1xf32>
        %squeeze3A_1217 = vector.extract %slice3A_1216[0] : f32 from vector<1xf32>
        %broadcast_in_dim3A_1218 = vector.broadcast %squeeze3A_1217 : f32 to vector<16xf32>
        %add3A_1219 = arith.constant 32 : i32
        %add3A_1220 = arith.addi %mul3A_345, %add3A_1219 : i32
        %add3A_1221 = arith.constant 13 : i32
        %add3A_1222 = arith.addi %add3A_1220, %add3A_1221 : i32
        %get3A_1223 = arith.index_cast %add3A_1222 : i32 to index
        %get3A_1224 = arith.constant 0 : index
        %get3A_1225 = tpu.vector_load %arg8[%get3A_1223, %get3A_1224] {strides = array<i32>} : memref<1600x32xf32, #tpu.memory_space<vmem>>, vector<1x16xf32>,
        %get3A_1226 = vector.shape_cast %get3A_1225 : vector<1x16xf32> to vector<16xf32>
        %get3A_1227 = arith.index_cast %add3A_1222 : i32 to index
        %get3A_1228 = arith.constant 16 : index
        %get3A_1229 = tpu.vector_load %arg8[%get3A_1227, %get3A_1228] {strides = array<i32>} : memref<1600x32xf32, #tpu.memory_space<vmem>>, vector<1x16xf32>,
        %get3A_1230 = vector.shape_cast %get3A_1229 : vector<1x16xf32> to vector<16xf32>
        %mul3A_1231 = arith.mulf %broadcast_in_dim3A_1218, %get3A_1226 : vector<16xf32>
        %add3A_1232 = arith.addf %add3A_1213, %mul3A_1231 : vector<16xf32>
        %mul3A_1233 = arith.mulf %broadcast_in_dim3A_1218, %get3A_1230 : vector<16xf32>
        %add3A_1234 = arith.addf %add3A_1215, %mul3A_1233 : vector<16xf32>
        %slice3A_1235 = vector.extract_strided_slice %get3A_968 {offsets = [14], sizes = [1], strides = [1]} : vector<16xf32> to vector<1xf32>
        %squeeze3A_1236 = vector.extract %slice3A_1235[0] : f32 from vector<1xf32>
        %broadcast_in_dim3A_1237 = vector.broadcast %squeeze3A_1236 : f32 to vector<16xf32>
        %add3A_1238 = arith.constant 32 : i32
        %add3A_1239 = arith.addi %mul3A_345, %add3A_1238 : i32
        %add3A_1240 = arith.constant 14 : i32
        %add3A_1241 = arith.addi %add3A_1239, %add3A_1240 : i32
        %get3A_1242 = arith.index_cast %add3A_1241 : i32 to index
        %get3A_1243 = arith.constant 0 : index
        %get3A_1244 = tpu.vector_load %arg8[%get3A_1242, %get3A_1243] {strides = array<i32>} : memref<1600x32xf32, #tpu.memory_space<vmem>>, vector<1x16xf32>,
        %get3A_1245 = vector.shape_cast %get3A_1244 : vector<1x16xf32> to vector<16xf32>
        %get3A_1246 = arith.index_cast %add3A_1241 : i32 to index
        %get3A_1247 = arith.constant 16 : index
        %get3A_1248 = tpu.vector_load %arg8[%get3A_1246, %get3A_1247] {strides = array<i32>} : memref<1600x32xf32, #tpu.memory_space<vmem>>, vector<1x16xf32>,
        %get3A_1249 = vector.shape_cast %get3A_1248 : vector<1x16xf32> to vector<16xf32>
        %mul3A_1250 = arith.mulf %broadcast_in_dim3A_1237, %get3A_1245 : vector<16xf32>
        %add3A_1251 = arith.addf %add3A_1232, %mul3A_1250 : vector<16xf32>
        %mul3A_1252 = arith.mulf %broadcast_in_dim3A_1237, %get3A_1249 : vector<16xf32>
        %add3A_1253 = arith.addf %add3A_1234, %mul3A_1252 : vector<16xf32>
        %slice3A_1254 = vector.extract_strided_slice %get3A_968 {offsets = [15], sizes = [1], strides = [1]} : vector<16xf32> to vector<1xf32>
        %squeeze3A_1255 = vector.extract %slice3A_1254[0] : f32 from vector<1xf32>
        %broadcast_in_dim3A_1256 = vector.broadcast %squeeze3A_1255 : f32 to vector<16xf32>
        %add3A_1257 = arith.constant 32 : i32
        %add3A_1258 = arith.addi %mul3A_345, %add3A_1257 : i32
        %add3A_1259 = arith.constant 15 : i32
        %add3A_1260 = arith.addi %add3A_1258, %add3A_1259 : i32
        %get3A_1261 = arith.index_cast %add3A_1260 : i32 to index
        %get3A_1262 = arith.constant 0 : index
        %get3A_1263 = tpu.vector_load %arg8[%get3A_1261, %get3A_1262] {strides = array<i32>} : memref<1600x32xf32, #tpu.memory_space<vmem>>, vector<1x16xf32>,
        %get3A_1264 = vector.shape_cast %get3A_1263 : vector<1x16xf32> to vector<16xf32>
        %get3A_1265 = arith.index_cast %add3A_1260 : i32 to index
        %get3A_1266 = arith.constant 16 : index
        %get3A_1267 = tpu.vector_load %arg8[%get3A_1265, %get3A_1266] {strides = array<i32>} : memref<1600x32xf32, #tpu.memory_space<vmem>>, vector<1x16xf32>,
        %get3A_1268 = vector.shape_cast %get3A_1267 : vector<1x16xf32> to vector<16xf32>
        %mul3A_1269 = arith.mulf %broadcast_in_dim3A_1256, %get3A_1264 : vector<16xf32>
        %add3A_1270 = arith.addf %add3A_1251, %mul3A_1269 : vector<16xf32>
        %mul3A_1271 = arith.mulf %broadcast_in_dim3A_1256, %get3A_1268 : vector<16xf32>
        %add3A_1272 = arith.addf %add3A_1253, %mul3A_1271 : vector<16xf32>
        %add3A_1273 = arith.constant 48 : i32
        %add3A_1274 = arith.addi %mul3A_345, %add3A_1273 : i32
        %get3A_1275 = arith.index_cast %add3A_1274 : i32 to index
        %get3A_1276 = tpu.vector_load %arg7[%get3A_1275] {strides = array<i32>} : memref<1616xf32, #tpu.memory_space<vmem>>, vector<16xf32>,
        %get3A_1277 = vector.shape_cast %get3A_1276 : vector<16xf32> to vector<16xf32>
        %slice3A_1278 = vector.extract_strided_slice %get3A_1277 {offsets = [0], sizes = [1], strides = [1]} : vector<16xf32> to vector<1xf32>
        %squeeze3A_1279 = vector.extract %slice3A_1278[0] : f32 from vector<1xf32>
        %broadcast_in_dim3A_1280 = vector.broadcast %squeeze3A_1279 : f32 to vector<16xf32>
        %add3A_1281 = arith.constant 48 : i32
        %add3A_1282 = arith.addi %mul3A_345, %add3A_1281 : i32
        %add3A_1283 = arith.constant 0 : i32
        %add3A_1284 = arith.addi %add3A_1282, %add3A_1283 : i32
        %get3A_1285 = arith.index_cast %add3A_1284 : i32 to index
        %get3A_1286 = arith.constant 0 : index
        %get3A_1287 = tpu.vector_load %arg8[%get3A_1285, %get3A_1286] {strides = array<i32>} : memref<1600x32xf32, #tpu.memory_space<vmem>>, vector<1x16xf32>,
        %get3A_1288 = vector.shape_cast %get3A_1287 : vector<1x16xf32> to vector<16xf32>
        %get3A_1289 = arith.index_cast %add3A_1284 : i32 to index
        %get3A_1290 = arith.constant 16 : index
        %get3A_1291 = tpu.vector_load %arg8[%get3A_1289, %get3A_1290] {strides = array<i32>} : memref<1600x32xf32, #tpu.memory_space<vmem>>, vector<1x16xf32>,
        %get3A_1292 = vector.shape_cast %get3A_1291 : vector<1x16xf32> to vector<16xf32>
        %mul3A_1293 = arith.mulf %broadcast_in_dim3A_1280, %get3A_1288 : vector<16xf32>
        %add3A_1294 = arith.addf %add3A_1270, %mul3A_1293 : vector<16xf32>
        %mul3A_1295 = arith.mulf %broadcast_in_dim3A_1280, %get3A_1292 : vector<16xf32>
        %add3A_1296 = arith.addf %add3A_1272, %mul3A_1295 : vector<16xf32>
        %slice3A_1297 = vector.extract_strided_slice %get3A_1277 {offsets = [1], sizes = [1], strides = [1]} : vector<16xf32> to vector<1xf32>
        %squeeze3A_1298 = vector.extract %slice3A_1297[0] : f32 from vector<1xf32>
        %broadcast_in_dim3A_1299 = vector.broadcast %squeeze3A_1298 : f32 to vector<16xf32>
        %add3A_1300 = arith.constant 48 : i32
        %add3A_1301 = arith.addi %mul3A_345, %add3A_1300 : i32
        %add3A_1302 = arith.constant 1 : i32
        %add3A_1303 = arith.addi %add3A_1301, %add3A_1302 : i32
        %get3A_1304 = arith.index_cast %add3A_1303 : i32 to index
        %get3A_1305 = arith.constant 0 : index
        %get3A_1306 = tpu.vector_load %arg8[%get3A_1304, %get3A_1305] {strides = array<i32>} : memref<1600x32xf32, #tpu.memory_space<vmem>>, vector<1x16xf32>,
        %get3A_1307 = vector.shape_cast %get3A_1306 : vector<1x16xf32> to vector<16xf32>
        %get3A_1308 = arith.index_cast %add3A_1303 : i32 to index
        %get3A_1309 = arith.constant 16 : index
        %get3A_1310 = tpu.vector_load %arg8[%get3A_1308, %get3A_1309] {strides = array<i32>} : memref<1600x32xf32, #tpu.memory_space<vmem>>, vector<1x16xf32>,
        %get3A_1311 = vector.shape_cast %get3A_1310 : vector<1x16xf32> to vector<16xf32>
        %mul3A_1312 = arith.mulf %broadcast_in_dim3A_1299, %get3A_1307 : vector<16xf32>
        %add3A_1313 = arith.addf %add3A_1294, %mul3A_1312 : vector<16xf32>
        %mul3A_1314 = arith.mulf %broadcast_in_dim3A_1299, %get3A_1311 : vector<16xf32>
        %add3A_1315 = arith.addf %add3A_1296, %mul3A_1314 : vector<16xf32>
        %swap3A = arith.index_cast %scan3A_343 : i32 to index
        %swap3A_1316 = arith.constant 0 : index
        %swap3A_1317 = tpu.vector_load %arg9[%swap3A, %swap3A_1316] {strides = array<i32>} : memref<32x32xf32, #tpu.memory_space<vmem>>, vector<1x16xf32>,
        %swap3A_1318 = vector.shape_cast %swap3A_1317 : vector<1x16xf32> to vector<16xf32>
        %swap3A_1319 = vector.shape_cast %add3A_1313 : vector<16xf32> to vector<1x16xf32>
        tpu.vector_store %arg9[%swap3A, %swap3A_1316], %swap3A_1319 {strides = array<i32>} : memref<32x32xf32, #tpu.memory_space<vmem>>, vector<1x16xf32>,
        %swap3A_1320 = arith.index_cast %scan3A_343 : i32 to index
        %swap3A_1321 = arith.constant 16 : index
        %swap3A_1322 = tpu.vector_load %arg9[%swap3A_1320, %swap3A_1321] {strides = array<i32>} : memref<32x32xf32, #tpu.memory_space<vmem>>, vector<1x16xf32>,
        %swap3A_1323 = vector.shape_cast %swap3A_1322 : vector<1x16xf32> to vector<16xf32>
        %swap3A_1324 = vector.shape_cast %add3A_1315 : vector<16xf32> to vector<1x16xf32>
        tpu.vector_store %arg9[%swap3A_1320, %swap3A_1321], %swap3A_1324 {strides = array<i32>} : memref<32x32xf32, #tpu.memory_space<vmem>>, vector<1x16xf32>,
      }
      %scan3A_337 = arith.constant 32 : i32
      %mul3A_338 = arith.constant 512 : i32
      %mul3A_339 = arith.muli %add3A, %mul3A_338 : i32
      %mul3A_340 = arith.constant 32 : i32
      %mul3A_341 = arith.muli %scan3A_10, %mul3A_340 : i32
      %add3A_342 = arith.addi %mul3A_339, %mul3A_341 : i32
      "tpu.region"() ({
        %run_scoped3A = tpu.sem_alloc : memref<!tpu.dma_semaphore, #tpu.memory_space<semaphore_mem>>
        %dma_start3A_343 = arith.constant 0 : i32
        %dma_start3A_344 = tpu.memref_slice %arg5[%add3A_342, %dma_start3A_343] : memref<16384x32xf32, #tpu.memory_space<hbm>> -> memref<32x32xf32, #tpu.memory_space<hbm>>
        %dma_start3A_345 = arith.constant 0 : i32
        %dma_start3A_346 = tpu.memref_slice %arg5[%add3A_342, %dma_start3A_345] : memref<16384x32xf32, #tpu.memory_space<hbm>> -> memref<32x32xf32, #tpu.memory_space<hbm>>
        tpu.enqueue_dma source(%arg9 : memref<32x32xf32, #tpu.memory_space<vmem>>) target(%dma_start3A_346 : memref<32x32xf32, #tpu.memory_space<hbm>>) target_semaphore(%run_scoped3A : memref<!tpu.dma_semaphore, #tpu.memory_space<semaphore_mem>>)
        %dma_wait3A_347 = arith.constant 0 : i32
        %dma_wait3A_348 = tpu.memref_slice %arg5[%add3A_342, %dma_wait3A_347] : memref<16384x32xf32, #tpu.memory_space<hbm>> -> memref<32x32xf32, #tpu.memory_space<hbm>>
        %dma_wait3A_349 = arith.constant 0 : i32
        %dma_wait3A_350 = tpu.memref_slice %arg5[%add3A_342, %dma_wait3A_349] : memref<16384x32xf32, #tpu.memory_space<hbm>> -> memref<32x32xf32, #tpu.memory_space<hbm>>
        tpu.wait_dma2 semaphore(%run_scoped3A : memref<!tpu.dma_semaphore, #tpu.memory_space<semaphore_mem>>) src(%arg9 : memref<32x32xf32, #tpu.memory_space<vmem>>) dst(%dma_wait3A_350 : memref<32x32xf32, #tpu.memory_space<hbm>>)
        tpu.yield
      }) : () -> ()
    }
    %scan3A_9 = arith.constant 16 : i32
    return
  }
}

</mosaic_0001>

<sc_bundles>
// kernel: kernel.3.cloned.1.call-start
scs
__scs_entry_jumppad:
0x0: {  	(pc) =	sbr.rel $0x88, $3  }
0x1: {  	(tag) =	ssettag $0x0;
	lr =	simm.s32 $0x1  }
0x2: {  	[smem:$0x3F9E] =	sst lr;
	_ =	strace $0xD0000000  }
0x3: {  	_ = 	snop  }
0x4: {  	_ = 	snop  }
0x5: {  	_ = 	snop  }
0x6: {  	_ = 	snop  }
0x7: {  	_ = 	snop  }
__scs_overlays_trampoline_lowered:
0x8: {  	[smem:$0x3FAD] =	sst s0  }
0x9: {  	[smem:$0x3FAE] =	sst s1  }
0xa: {  	[smem:$0x3FAF] =	sst s2  }
0xb: {  	[smem:$0x3FB0] =	sst s3  }
0xc: {  	[smem:$0x3FB1] =	sst s4  }
0xd: {  	[smem:$0x3FB2] =	sst s5  }
0xe: {  	[smem:$0x3FB3] =	sst s6  }
0xf: {  	[smem:$0x3FB4] =	sst s7  }
0x10: {  	[smem:$0x3FB5] =	sst s8  }
0x11: {  	[smem:$0x3FB6] =	sst s9;
	s0 =	simm.s32 @!p0 $0x0  }
0x12: {  	s1 =	sld [smem:$0x3F9C];
	s0 =	simm.s32 @p0 $0x1  }
0x13: {  	[smem:$0x3FB7] =	sst s0;
	s0 =	simm.s32 @!p1 $0x0  }
0x14: {  	s2 =	sld [smem:$0x3F9B];
	s0 =	simm.s32 @p1 $0x1  }
0x15: {  	[smem:$0x3FB8] =	sst s0;
	s0 =	simm.s32 @!p2 $0x0  }
0x16: {  	s3 =	sld [smem:$0x3FDB];
	s0 =	simm.s32 @p2 $0x1  }
0x17: {  	s4 =	simm.s32 $0x1BF5;
	[smem:$0x3FBA] =	sst s0  }
0x18: {  	s0 =	sld [smem:$0x3F9D];
	_ =	swait.ge [sflag:s4], $0x0  }
0x19: {  	s7 =	sld [smem:$0x3F9E]  }
0x1a: {  	s8 =	sadd.s32 $0xFFFFE003, lr  }
0x1b: {  	s9 =	sadd.s32 $0xFFFFFEF7, lr;
	s5 =	simm.s32 $0xFFFFFFFF;
	p2 =	slt.u32 s8, $0xFFFFF086  }
0x1c: {  	p1 =	slt.u32 s9, $0xF7A;
	s5 =	simm.s32 @!p2 $0x0  }
0x1d: {  	s5 =	simm.s32 @p1 $0x1;
	p0 =	seq.s32 s7, s2  }
0x1e: {  	s7 =	smul.u32 @!p0 $0xF7A, s2;
	p2 =	seq.s32 @!p0 s5, $0x0  }
0x1f: {  	s9 =	smul.u32 $0xF7A, s1;
	s8 =	simm.s32 @!p0 $0x1BF5;
	p2 =	por !p2, p0  }
0x20: {  	[sflag:s8] =	ssyncset.s32 @!p0 $0xFFFFF086;
	s6 =	sadd.s32 @!p0 s3, s7;
	s7 =	simm.s32 @!p0 $0x108  }
0x21: {  	s3 =	sadd.s32 s3, s9;
	s6 =	sadd.s32 @!p0 $0x88, s6;
	s7 =	simm.s32 @p2 $0x1082  }
0x22: {  	[simem:s7], [sflag:s8] =	dma.local @!p0 [hbm:s6], $0xF7A  }
0x23: {  	s9 =	sor.u32 $0xD0000000, s2;
	s6 =	simm.s32 $0x108;
	_ =	swait.ge @!p0 [sflag:s8], $0x0  }
0x24: {  	s3 =	sadd.s32 $0x88, s3;
	s6 =	simm.s32 @!p1 $0x1082;
	[sflag:s4] =	ssyncset.s32 $0xFFFFF086  }
0x25: {  	[simem:s6], [sflag:s4] =	dma.local [hbm:s3], $0xF7A  }
0x26: {  	[smem:$0x3F9E] =	sst s1;
	(tag) =	ssettag s2;
	_ =	strace s9  }
0x27: {  	s1 =	sld [smem:$0x3FAE]  }
0x28: {  	s2 =	sld [smem:$0x3FAF]  }
0x29: {  	s4 =	sld [smem:$0x3FB1]  }
0x2a: {  	p0 =	seq.s32 s5, $0x0;
	s5 =	sld [smem:$0x3FB2]  }
0x2b: {  	s6 =	sld [smem:$0x3FB3]  }
0x2c: {  	s7 =	sld [smem:$0x3FB4]  }
0x2d: {  	s3 =	simm.s32 $0x108;
	s8 =	sld [smem:$0x3FB5]  }
0x2e: {  	s3 =	simm.s32 @!p0 $0x1082;
	s9 =	sld [smem:$0x3FB6]  }
0x2f: {  	lr =	sadd.s32 s0, s3;
	s0 =	sld [smem:$0x3FAD]  }
0x30: {  	s3 =	sld [smem:$0x3FB0]  }
0x31: {  	[smem:$0x3FB9] =	sst s10  }
0x32: {  	s10 =	sld [smem:$0x3FB7];
	_ =	sdelay $0x3  }
0x33: {  	p0 =	seq.s32 s10, $0x1;
	s10 =	sld [smem:$0x3FB9];
	_ =	sdelay $0x3  }
0x34: {  	[smem:$0x3FB9] =	sst s10  }
0x35: {  	s10 =	sld [smem:$0x3FB8];
	_ =	sdelay $0x3  }
0x36: {  	p1 =	seq.s32 s10, $0x1;
	s10 =	sld [smem:$0x3FB9];
	_ =	sdelay $0x3  }
0x37: {  	[smem:$0x3FB9] =	sst s10  }
0x38: {  	s10 =	sld [smem:$0x3FBA]  }
0x39: {  	_ = 	snop;
	(pc) =	sbr.ind lr, $3  }
0x3a: {  	_ = 	snop  }
0x3b: {  	_ = 	snop  }
0x3c: {  	p2 =	seq.s32 s10, $0x1;
	s10 =	sld [smem:$0x3FB9]  }
0x3d: {  	_ =	shalt  }
0x3e: {  	_ =	shalt  }
0x3f: {  	_ =	shalt  }
0x40: {  	_ =	shalt  }
0x41: {  	_ =	shalt  }
0x42: {  	_ =	shalt  }
0x43: {  	_ =	shalt  }
0x44: {  	_ =	shalt  }
0x45: {  	_ =	shalt  }
0x46: {  	_ =	shalt  }
0x47: {  	_ =	shalt  }
0x48: {  	_ =	shalt  }
0x49: {  	_ =	shalt  }
0x4a: {  	_ =	shalt  }
0x4b: {  	_ =	shalt  }
0x4c: {  	_ =	shalt  }
0x4d: {  	_ =	shalt  }
0x4e: {  	_ =	shalt  }
0x4f: {  	_ =	shalt  }
0x50: {  	_ =	shalt  }
0x51: {  	_ =	shalt  }
0x52: {  	_ =	shalt  }
0x53: {  	_ =	shalt  }
0x54: {  	_ =	shalt  }
0x55: {  	_ =	shalt  }
0x56: {  	_ =	shalt  }
0x57: {  	_ =	shalt  }
0x58: {  	_ =	shalt  }
0x59: {  	_ =	shalt  }
0x5a: {  	_ =	shalt  }
0x5b: {  	_ =	shalt  }
0x5c: {  	_ =	shalt  }
0x5d: {  	_ =	shalt  }
0x5e: {  	_ =	shalt  }
0x5f: {  	_ =	shalt  }
0x60: {  	_ =	shalt  }
0x61: {  	_ =	shalt  }
0x62: {  	_ =	shalt  }
0x63: {  	_ =	shalt  }
0x64: {  	_ =	shalt  }
0x65: {  	_ =	shalt  }
0x66: {  	_ =	shalt  }
0x67: {  	_ =	shalt  }
0x68: {  	_ =	shalt  }
0x69: {  	_ =	shalt  }
0x6a: {  	_ =	shalt  }
0x6b: {  	_ =	shalt  }
0x6c: {  	_ =	shalt  }
0x6d: {  	_ =	shalt  }
0x6e: {  	_ =	shalt  }
0x6f: {  	_ =	shalt  }
0x70: {  	_ =	shalt  }
0x71: {  	_ =	shalt  }
0x72: {  	_ =	shalt  }
0x73: {  	_ =	shalt  }
0x74: {  	_ =	shalt  }
0x75: {  	_ =	shalt  }
0x76: {  	_ =	shalt  }
0x77: {  	_ =	shalt  }
0x78: {  	_ =	shalt  }
0x79: {  	_ =	shalt  }
0x7a: {  	_ =	shalt  }
0x7b: {  	_ =	shalt  }
0x7c: {  	_ =	shalt  }
0x7d: {  	_ =	shalt  }
0x7e: {  	_ =	shalt  }
0x7f: {  	_ =	shalt  }
0x80: {  	_ =	shalt  }
0x81: {  	_ =	shalt  }
0x82: {  	_ =	shalt  }
0x83: {  	_ =	shalt  }
0x84: {  	_ =	shalt  }
0x85: {  	_ =	shalt  }
0x86: {  	_ =	shalt  }
0x87: {  	_ =	shalt  }
.Lfunc_end0:
.L_simem_size_0:
called_computation_lowered:
.L_overlay_start_0:
0x88: {  	s2 =	sld [smem:$0x3FD9]  }
0x89: {  	s3 =	sld [smem:$0x3FFE];
	_ =	sdelay $0x1  }
0x8a: {  	s1 =	srdreg.scid  }
0x8b: {  	s0 =	sand.u32 $0x1, s1  }
0x8c: {  	s17 =	sshll.u32 s0, $0xA;
	s2 =	sadd.s32 s3, s2  }
0x8d: {  	s2 =	sadd.s32 s2, s17  }
0x8e: {  	[smem:$0x3FC5] =	sst s2  }
0x8f: {  	_ = 	snop  }
0x90: {  	s2 =	sld [smem:$0x3FD0];
	(tm) =	ssettm $0x1  }
0x91: {  	s18 =	sld [smem:$0x3FFB];
	_ =	sdelay $0x3  }
0x92: {  	_ =	strace s18  }
0x93: {  	s3 =	sld [smem:$0x3FFC];
	_ =	sdelay $0x3  }
0x94: {  	_ =	strace s3  }
0x95: {  	s3 =	sld [smem:$0x3FFD];
	_ =	sdelay $0x3  }
0x96: {  	_ =	strace s3  }
0x97: {  	_ =	strace $0x8FFFFFFF  }
0x98: {  	s19 =	sld [smem:$0x3FDB];
	_ =	sdelay $0x1  }
0x99: {  	s4 =	simm.s32 $_scs_section_size  }
0x9a: {  	s5 =	simm.s32 $_size__tile_overlayer_lowered;
	s6 =	simm.s32 $_tile_overlayer_lowered  }
0x9b: {  	s22 =	simm.s32 $0x1BFF;
	s21 =	sshll.u32 s6, $0x1;
	s3 =	sadd.s32 s4, s19  }
0x9c: {  	s7 =	simm.s32 $0x0;
	s20 =	sshll.u32 s5, $0x1;
	s5 =	sadd.s32 s21, s3  }
0x9d: {  	[timem:s7], [sflag:s22] =	dma.local [hbm:s5], s20  }
0x9e: {  	_ =	swait.ge [sflag:s22], s20  }
0x9f: {  	s4 =	ssub.s32 $0x0, s20;
	[sflag:s22] =	ssyncset.done $0x0  }
0xa0: {  	[sflag:s22] =	ssyncadd.s32 s4;
	_ =	sdelay $0x1  }
0xa1: {  	s23 =	simm.s32 $0x1B8B  }
0xa2: {  	_ =	swait.ge [sflag:s23], $0x1  }
0xa3: {  	[sflag:s23] =	ssyncset.done $0x0  }
0xa4: {  	s25 =	simm.s32 $0x1B8E;
	s24 =	sld [smem:$0x3FFE];
	[sflag:s23] =	ssyncadd.s32 $0xFFFFFFFF  }
0xa5: {  	s26 =	simm.s32 $execute0_lowered;
	[smem:$0x3FD2] =	sst s25  }
0xa6: {  	s5 =	sshll.u32 s26, $0x1;
	_ =	strace $0x80000046;
	[dreg:$0x1] =	wrdreg $0xFFFFFFFF  }
0xa7: {  	s28 =	simm.s32 $_size_execute0_lowered;
	s3 =	sadd.s32 s3, s5;
	[dreg:$0x0] =	wrdreg $0x0  }
0xa8: {  	s5 =	sshll.u32 s28, $0x1;
	[dreg:$0x2] =	wrdreg s3  }
0xa9: {  	[dreg:$0x3] =	wrdreg s5  }
0xaa: {  	[dreg:$0x4] =	wrdreg $0xC0  }
0xab: {  	_ =	task [dreg:s7], $0x5FFFF  }
0xac: {  	[dreg:$0x1] =	wrdreg $0xFFFFFFFF  }
0xad: {  	[dreg:$0x0] =	wrdreg $0x60  }
0xae: {  	[dreg:$0x2] =	wrdreg s24  }
0xaf: {  	[dreg:$0x3] =	wrdreg s2  }
0xb0: {  	[dreg:$0x4] =	wrdreg $0x9  }
0xb1: {  	_ =	task.clear_ibuf [dreg:s7], $0x5FFFF;
	_ =	strace $0x90000046  }
0xb2: {  	s29 =	simm.s32 $0x9;
	_ =	strace $0x80000048  }
0xb3: {  	_ =	swait.ge [sflag:s29], $0x1  }
0xb4: {  	[sflag:s29] =	ssyncadd.s32 $0xFFFFFFFF  }
0xb5: {  	_ =	strace $0x90000048  }
0xb6: {  	_ =	sfence  }
0xb7: {  	s30 =	sld [smem:$0x0];
	_ =	sdelay $0x2  }
0xb8: {  	s31 =	sshll.u32 s1, $0xD;
	s1 =	sshrl.u32 s1, $0x2  }
0xb9: {  	s3 =	sand.u32 $0x4000, s31;
	s1 =	sadd.s32 s1, s30  }
0xba: {  	s0 =	sor.u32 s3, s0;
	s1 =	sshll.u32 s1, $0x11  }
0xbb: {  	s0 =	sor.u32 s1, s0  }
0xbc: {  	s0 =	sadd.s32 $0x8F2B, s0  }
0xbd: {  	[sflag:s0] =	ssyncadd.remote.s32 $0x1  }
0xbe: {  	_ =	sfence.sel $0xFFFF  }
0xbf: {  	[dreg:$0x0] =	wrdreg $0xFFFFFFFF;
	(pc) =	sbr.abs _section_cstart, $3  }
0xc0: {  	[dreg:$0x1] =	wrdreg $0xFFFFFFFF  }
0xc1: {  	_ =	task.clear_ibuf [dreg:s7], $0x2FFFF;
	_ =	strace $0x9FFFFFFF  }
0xc2: {  	(tm) =	ssettm $0x7FFFFFFF  }
0xc3: {  	_ =	shalt  }
tec
execute0_lowered:
.L_overlay_start_1:
0x0: {  	(tag) =	ssettag $0x1  }
0x1: {  	s0 =	rddreg [dreg:$0x0]  }
0x2: {  	s2 =	rddreg [dreg:$0x1];
	s1 =	simm.s32 $0x0  }
0x3: {  	s4 =	srdreg.scid;
	s5 =	stileid.u32;
	s9 =	simm.s32 $0x2  }
0x4: {  	s10 =	simm.s32 $0x50;
	s16 =	simm.s32 $0x4B0;
	s17 =	simm.s32 $0xA290  }
0x5: {  	s18 =	simm.s32 $0x500;
	s19 =	simm.s32 $0xAC90;
	s20 =	simm.s32 $0x550  }
0x6: {  	s21 =	simm.s32 $0xB690;
	s22 =	simm.s32 $0x5A0;
	s23 =	simm.s32 $0xC090  }
0x7: {  	s24 =	simm.s32 $0x5F0;
	s25 =	simm.s32 $0xCA90;
	s26 =	simm.s32 $0x1  }
0x8: {  	s28 =	simm.s32 $0xD490;
	[smem:$0x7FF] =	sst s1;
	s6 =	sand.u32 $0x1, s4  }
0x9: {  	s3 =	sadd.s32 $0x19800, s0;
	s4 =	sadd.s32 $0x800, s0;
	s7 =	ssub.s32 $0x2, s6  }
0xa: {  	s8 =	sshll.u32 s5, $0x1;
	s5 =	sadd.s32 $0xF42C00, s0;
	s30 =	sshrl.u32 s7, $0x1  }
0xb: {  	_ =	strace $0x80000047;
	s8 =	sor.u32 s6, s8;
	s0 =	ssub.s32 s7, s30  }
0xc: {  	s6 =	smul.u32 $0x6400, s8;
	s31 =	sshll.u32 s8, $0xB;
	s0 =	smax.u32 s0, $0x1  }
0xd: {  	s7 =	sadd.s32 s2, s31;
	s2 =	simm.s32 $0x0;
	[dreg:$0x3] =	wrdreg s0  }
.LBB2_1:
0xe: {  	[dreg:$0x4] =	wrdreg s2;
	s29 =	simm.s32 $0x0  }
.LBB2_2:
0xf: {  	s0 =	smul.u32 $0x640, s29;
	_ =	sdelay $0x1  }
0x10: {  	s0 =	sadd.s32 s6, s0  }
0x11: {  	s0 =	sshrl.u32 s0, $0x3  }
0x12: {  	s2 =	sadd.s32 s3, s0  }
0x13: {  	[tilespmem:s1], [sflag:$0x2] =	stream.linear.gather [hbm4b:s2+s1], $0x640, $0x38;
	[tilespmem:$0xD890] =	vst v63  }
0x14: {  	_ =	swait.ge [sflag:s9], $0x640  }
0x15: {  	[sflag:s9] =	ssyncset.done $0x0  }
0x16: {  	s0 =	sadd.s32 s4, s0;
	s2 =	simm.s32 $0x640;
	[sflag:s9] =	ssyncadd.s32 $0xFFFFF9C0  }
0x17: {  	[tilespmem:s2], [sflag:$0x2] =	stream.linear.gather [hbm4b:s0+s1], $0x640, $0x38;
	[tilespmem:$0xD890] =	vst v63  }
0x18: {  	_ =	swait.ge [sflag:s9], $0x640  }
0x19: {  	[sflag:s9] =	ssyncset.done $0x0  }
0x1a: {  	s15 =	simm.s32 $0xC90;
	[sflag:s9] =	ssyncadd.s32 $0xFFFFF9C0  }
0x1b: {  	[tilespmem:s15], [sflag:$0x1] =	stream.indirect.gather [hbm4b:s5+s10], $0x20, s1, s10, $0xb8;
	[tilespmem:$0xD890] =	vst v63  }
0x1c: {  	s8 =	simm.s32 $0x1690  }
0x1d: {  	[tilespmem:s8], [sflag:$0x1] =	stream.indirect.gather [hbm4b:s5+s10], $0x20, s10, s10, $0xb8;
	[tilespmem:$0xD890] =	vst v63  }
0x1e: {  	s11 =	simm.s32 $0xA0;
	s8 =	simm.s32 $0x2090  }
0x1f: {  	[tilespmem:s8], [sflag:$0x1] =	stream.indirect.gather [hbm4b:s5+s10], $0x20, s11, s10, $0xb8;
	[tilespmem:$0xD890] =	vst v63  }
0x20: {  	s12 =	simm.s32 $0xF0;
	s13 =	simm.s32 $0x2A90  }
0x21: {  	[tilespmem:s13], [sflag:$0x1] =	stream.indirect.gather [hbm4b:s5+s10], $0x20, s12, s10, $0xb8;
	[tilespmem:$0xD890] =	vst v63  }
0x22: {  	s14 =	simm.s32 $0x140;
	s15 =	simm.s32 $0x3490  }
0x23: {  	[tilespmem:s15], [sflag:$0x1] =	stream.indirect.gather [hbm4b:s5+s10], $0x20, s14, s10, $0xb8;
	[tilespmem:$0xD890] =	vst v63  }
0x24: {  	s8 =	simm.s32 $0x190;
	s11 =	simm.s32 $0x3E90  }
0x25: {  	[tilespmem:s11], [sflag:$0x1] =	stream.indirect.gather [hbm4b:s5+s10], $0x20, s8, s10, $0xb8;
	[tilespmem:$0xD890] =	vst v63  }
0x26: {  	s12 =	simm.s32 $0x1E0;
	s13 =	simm.s32 $0x4890  }
0x27: {  	[tilespmem:s13], [sflag:$0x1] =	stream.indirect.gather [hbm4b:s5+s10], $0x20, s12, s10, $0xb8;
	[tilespmem:$0xD890] =	vst v63  }
0x28: {  	s14 =	simm.s32 $0x230;
	s15 =	simm.s32 $0x5290  }
0x29: {  	[tilespmem:s15], [sflag:$0x1] =	stream.indirect.gather [hbm4b:s5+s10], $0x20, s14, s10, $0xb8;
	[tilespmem:$0xD890] =	vst v63  }
0x2a: {  	s8 =	simm.s32 $0x280;
	s11 =	simm.s32 $0x5C90  }
0x2b: {  	[tilespmem:s11], [sflag:$0x1] =	stream.indirect.gather [hbm4b:s5+s10], $0x20, s8, s10, $0xb8;
	[tilespmem:$0xD890] =	vst v63  }
0x2c: {  	s12 =	simm.s32 $0x2D0;
	s13 =	simm.s32 $0x6690  }
0x2d: {  	[tilespmem:s13], [sflag:$0x1] =	stream.indirect.gather [hbm4b:s5+s10], $0x20, s12, s10, $0xb8;
	[tilespmem:$0xD890] =	vst v63  }
0x2e: {  	s14 =	simm.s32 $0x320;
	s15 =	simm.s32 $0x7090  }
0x2f: {  	[tilespmem:s15], [sflag:$0x1] =	stream.indirect.gather [hbm4b:s5+s10], $0x20, s14, s10, $0xb8;
	[tilespmem:$0xD890] =	vst v63  }
0x30: {  	s8 =	simm.s32 $0x370;
	s11 =	simm.s32 $0x7A90  }
0x31: {  	[tilespmem:s11], [sflag:$0x1] =	stream.indirect.gather [hbm4b:s5+s10], $0x20, s8, s10, $0xb8;
	[tilespmem:$0xD890] =	vst v63  }
0x32: {  	s12 =	simm.s32 $0x3C0;
	s13 =	simm.s32 $0x8490  }
0x33: {  	[tilespmem:s13], [sflag:$0x1] =	stream.indirect.gather [hbm4b:s5+s10], $0x20, s12, s10, $0xb8;
	[tilespmem:$0xD890] =	vst v63  }
0x34: {  	s14 =	simm.s32 $0x410;
	s15 =	simm.s32 $0x8E90  }
0x35: {  	[tilespmem:s15], [sflag:$0x1] =	stream.indirect.gather [hbm4b:s5+s10], $0x20, s14, s10, $0xb8;
	[tilespmem:$0xD890] =	vst v63  }
0x36: {  	s8 =	simm.s32 $0x460;
	s11 =	simm.s32 $0x9890  }
0x37: {  	[tilespmem:s11], [sflag:$0x1] =	stream.indirect.gather [hbm4b:s5+s10], $0x20, s8, s10, $0xb8;
	[tilespmem:$0xD890] =	vst v63  }
0x38: {  	_ = 	snop  }
0x39: {  	[tilespmem:s17], [sflag:$0x1] =	stream.indirect.gather [hbm4b:s5+s10], $0x20, s16, s10, $0xb8;
	[tilespmem:$0xD890] =	vst v63  }
0x3a: {  	_ = 	snop  }
0x3b: {  	[tilespmem:s19], [sflag:$0x1] =	stream.indirect.gather [hbm4b:s5+s10], $0x20, s18, s10, $0xb8;
	[tilespmem:$0xD890] =	vst v63  }
0x3c: {  	_ = 	snop  }
0x3d: {  	[tilespmem:s21], [sflag:$0x1] =	stream.indirect.gather [hbm4b:s5+s10], $0x20, s20, s10, $0xb8;
	[tilespmem:$0xD890] =	vst v63  }
0x3e: {  	_ = 	snop  }
0x3f: {  	[tilespmem:s23], [sflag:$0x1] =	stream.indirect.gather [hbm4b:s5+s10], $0x20, s22, s10, $0xb8;
	[tilespmem:$0xD890] =	vst v63  }
0x40: {  	_ = 	snop  }
0x41: {  	[tilespmem:s25], [sflag:$0x1] =	stream.indirect.gather [hbm4b:s5+s10], $0x20, s24, s10, $0xb8;
	[tilespmem:$0xD890] =	vst v63  }
0x42: {  	_ =	swait.ge [sflag:s26], $0xA00  }
0x43: {  	[sflag:s26] =	ssyncset.done $0x0  }
0x44: {  	[sflag:s26] =	ssyncadd.s32 $0xFFFFF600  }
0x45: {  	_ =	swait.ge [sflag:s26], $0xA00  }
0x46: {  	[sflag:s26] =	ssyncset.done $0x0  }
0x47: {  	[sflag:s26] =	ssyncadd.s32 $0xFFFFF600  }
0x48: {  	_ =	swait.ge [sflag:s26], $0xA00  }
0x49: {  	[sflag:s26] =	ssyncset.done $0x0  }
0x4a: {  	[sflag:s26] =	ssyncadd.s32 $0xFFFFF600  }
0x4b: {  	_ =	swait.ge [sflag:s26], $0xA00  }
0x4c: {  	[sflag:s26] =	ssyncset.done $0x0  }
0x4d: {  	[sflag:s26] =	ssyncadd.s32 $0xFFFFF600  }
0x4e: {  	_ =	swait.ge [sflag:s26], $0xA00  }
0x4f: {  	[sflag:s26] =	ssyncset.done $0x0  }
0x50: {  	[sflag:s26] =	ssyncadd.s32 $0xFFFFF600  }
0x51: {  	_ =	swait.ge [sflag:s26], $0xA00  }
0x52: {  	[sflag:s26] =	ssyncset.done $0x0  }
0x53: {  	[sflag:s26] =	ssyncadd.s32 $0xFFFFF600  }
0x54: {  	_ =	swait.ge [sflag:s26], $0xA00  }
0x55: {  	[sflag:s26] =	ssyncset.done $0x0  }
0x56: {  	[sflag:s26] =	ssyncadd.s32 $0xFFFFF600  }
0x57: {  	_ =	swait.ge [sflag:s26], $0xA00  }
0x58: {  	[sflag:s26] =	ssyncset.done $0x0  }
0x59: {  	[sflag:s26] =	ssyncadd.s32 $0xFFFFF600  }
0x5a: {  	_ =	swait.ge [sflag:s26], $0xA00  }
0x5b: {  	[sflag:s26] =	ssyncset.done $0x0  }
0x5c: {  	[sflag:s26] =	ssyncadd.s32 $0xFFFFF600  }
0x5d: {  	_ =	swait.ge [sflag:s26], $0xA00  }
0x5e: {  	[sflag:s26] =	ssyncset.done $0x0  }
0x5f: {  	[sflag:s26] =	ssyncadd.s32 $0xFFFFF600  }
0x60: {  	_ =	swait.ge [sflag:s26], $0xA00  }
0x61: {  	[sflag:s26] =	ssyncset.done $0x0  }
0x62: {  	[sflag:s26] =	ssyncadd.s32 $0xFFFFF600  }
0x63: {  	_ =	swait.ge [sflag:s26], $0xA00  }
0x64: {  	[sflag:s26] =	ssyncset.done $0x0  }
0x65: {  	[sflag:s26] =	ssyncadd.s32 $0xFFFFF600  }
0x66: {  	_ =	swait.ge [sflag:s26], $0xA00  }
0x67: {  	[sflag:s26] =	ssyncset.done $0x0  }
0x68: {  	[sflag:s26] =	ssyncadd.s32 $0xFFFFF600  }
0x69: {  	_ =	swait.ge [sflag:s26], $0xA00  }
0x6a: {  	[sflag:s26] =	ssyncset.done $0x0  }
0x6b: {  	[sflag:s26] =	ssyncadd.s32 $0xFFFFF600  }
0x6c: {  	_ =	swait.ge [sflag:s26], $0xA00  }
0x6d: {  	[sflag:s26] =	ssyncset.done $0x0  }
0x6e: {  	[sflag:s26] =	ssyncadd.s32 $0xFFFFF600  }
0x6f: {  	_ =	swait.ge [sflag:s26], $0xA00  }
0x70: {  	[sflag:s26] =	ssyncset.done $0x0  }
0x71: {  	[sflag:s26] =	ssyncadd.s32 $0xFFFFF600  }
0x72: {  	_ =	swait.ge [sflag:s26], $0xA00  }
0x73: {  	[sflag:s26] =	ssyncset.done $0x0  }
0x74: {  	[sflag:s26] =	ssyncadd.s32 $0xFFFFF600  }
0x75: {  	_ =	swait.ge [sflag:s26], $0xA00  }
0x76: {  	[sflag:s26] =	ssyncset.done $0x0  }
0x77: {  	[sflag:s26] =	ssyncadd.s32 $0xFFFFF600  }
0x78: {  	_ =	swait.ge [sflag:s26], $0xA00  }
0x79: {  	[sflag:s26] =	ssyncset.done $0x0  }
0x7a: {  	[sflag:s26] =	ssyncadd.s32 $0xFFFFF600  }
0x7b: {  	s30 =	simm.s32 $0x20;
	s12 =	simm.s32 $0x30;
	_ =	swait.ge [sflag:s26], $0xA00  }
0x7c: {  	s13 =	simm.s32 $0xFB0;
	s11 =	simm.s32 $0x0;
	[sflag:s26] =	ssyncset.done $0x0  }
0x7d: {  	s8 =	sand.u32 $0xFF8, s12;
	s11 =	sand.u32 $0x6, s11;
	[sflag:s26] =	ssyncadd.s32 $0xFFFFF600  }
0x7e: {  	s30 =	sand.u32 $0xFF8, s30;
	s8 =	sor.u32 s11, s8;
	v3 =	vld [tilespmem:s13+$0xFFFFFCF0]  }
0x7f: {  	s30 =	sor.u32 s11, s30;
	v0 =	vld [tilespmem:s8+$0x640]  }
0x80: {  	v1 =	vld [tilespmem:s30+$0x640]  }
0x81: {  	v4 =	vld [tilespmem:s2+$0x0]  }
0x82: {  	v5 =	vld [tilespmem:s13+$0xFFFFFCE0]  }
0x83: {  	v6 =	vld [tilespmem:s13+$0xFFFFFD10]  }
0x84: {  	v7 =	vld [tilespmem:s13+$0xFFFFFD00]  }
0x85: {  	v9 =	vld [tilespmem:s13+$0xFFFFFD30]  }
0x86: {  	v11 =	vld [tilespmem:s13+$0xFFFFFD20];
	v8 =	vbroadcast v4, $0x0  }
0x87: {  	v26 =	vld [tilespmem:s13+$0xFFFFFD50];
	v10 =	vbroadcast v4, $0x1  }
0x88: {  	v13 =	vld [tilespmem:s13+$0xFFFFFD40];
	v5 =	vmul.f32 v5, v8;
	v3 =	vmul.f32 v3, v8  }
0x89: {  	v27 =	vld [tilespmem:s13+$0xFFFFFD70];
	v12 =	vbroadcast v4, $0x2;
	v6 =	vmul.f32 v6, v10  }
0x8a: {  	v15 =	vld [tilespmem:s13+$0xFFFFFD60];
	v7 =	vmul.f32 v7, v10;
	v5 =	vadd.f32 $0.0e+00, v5;
	v3 =	vadd.f32 $0.0e+00, v3  }
0x8b: {  	v29 =	vld [tilespmem:s13+$0xFFFFFD90];
	v14 =	vbroadcast v4, $0x3;
	v9 =	vmul.f32 v9, v12  }
0x8c: {  	v31 =	vld [tilespmem:s13+$0xFFFFFD80];
	v28 =	vmul.f32 v11, v12;
	v5 =	vadd.f32 v7, v5;
	v3 =	vadd.f32 v6, v3  }
0x8d: {  	v33 =	vld [tilespmem:s13+$0xFFFFFDB0];
	v30 =	vbroadcast v4, $0x4;
	v8 =	vmul.f32 v26, v14  }
0x8e: {  	v35 =	vld [tilespmem:s13+$0xFFFFFDA0];
	v32 =	vmul.f32 v13, v14;
	v5 =	vadd.f32 v28, v5;
	v3 =	vadd.f32 v9, v3  }
0x8f: {  	v37 =	vld [tilespmem:s13+$0xFFFFFDD0];
	v34 =	vbroadcast v4, $0x5;
	v10 =	vmul.f32 v27, v30  }
0x90: {  	v39 =	vld [tilespmem:s13+$0xFFFFFDC0];
	v36 =	vmul.f32 v15, v30;
	v5 =	vadd.f32 v32, v5;
	v3 =	vadd.f32 v8, v3  }
0x91: {  	v41 =	vld [tilespmem:s13+$0xFFFFFDF0];
	v38 =	vbroadcast v4, $0x6;
	v40 =	vmul.f32 v31, v34  }
0x92: {  	v43 =	vld [tilespmem:s13+$0xFFFFFDE0];
	v7 =	vmul.f32 v29, v34;
	v5 =	vadd.f32 v36, v5;
	v3 =	vadd.f32 v10, v3  }
0x93: {  	v45 =	vld [tilespmem:s13+$0xFFFFFE10];
	v42 =	vbroadcast v4, $0x7;
	v44 =	vmul.f32 v35, v38  }
0x94: {  	v47 =	vld [tilespmem:s13+$0xFFFFFE00];
	v9 =	vmul.f32 v33, v38;
	v5 =	vadd.f32 v40, v5;
	v3 =	vadd.f32 v7, v3  }
0x95: {  	v49 =	vld [tilespmem:s13+$0xFFFFFE30];
	v46 =	vbroadcast v4, $0x8;
	v48 =	vmul.f32 v39, v42  }
0x96: {  	v51 =	vld [tilespmem:s13+$0xFFFFFE20];
	v8 =	vmul.f32 v37, v42;
	v5 =	vadd.f32 v44, v5;
	v3 =	vadd.f32 v9, v3  }
0x97: {  	v53 =	vld [tilespmem:s13+$0xFFFFFE50];
	v50 =	vbroadcast v4, $0x9;
	v52 =	vmul.f32 v43, v46  }
0x98: {  	v55 =	vld [tilespmem:s13+$0xFFFFFE40];
	v10 =	vmul.f32 v41, v46;
	v5 =	vadd.f32 v48, v5;
	v3 =	vadd.f32 v8, v3  }
0x99: {  	v57 =	vld [tilespmem:s13+$0xFFFFFE70];
	v54 =	vbroadcast v4, $0xA;
	v56 =	vmul.f32 v47, v50  }
0x9a: {  	v59 =	vld [tilespmem:s13+$0xFFFFFE60];
	v7 =	vmul.f32 v45, v50;
	v5 =	vadd.f32 v52, v5;
	v3 =	vadd.f32 v10, v3  }
0x9b: {  	v61 =	vld [tilespmem:s13+$0xFFFFFE90];
	v58 =	vbroadcast v4, $0xB;
	v60 =	vmul.f32 v51, v54  }
0x9c: {  	v63 =	vld [tilespmem:s13+$0xFFFFFE80];
	v9 =	vmul.f32 v49, v54;
	v5 =	vadd.f32 v56, v5;
	v3 =	vadd.f32 v7, v3  }
0x9d: {  	s14 =	simm.s32 $0x10;
	v19 =	vld [tilespmem:s13+$0xFFFFFEB0];
	v62 =	vbroadcast v4, $0xC;
	v18 =	vmul.f32 v55, v58  }
0x9e: {  	s8 =	sand.u32 $0xFF8, s14;
	v21 =	vld [tilespmem:s13+$0xFFFFFEA0];
	v8 =	vmul.f32 v53, v58;
	v5 =	vadd.f32 v60, v5;
	v3 =	vadd.f32 v9, v3  }
0x9f: {  	v23 =	vld [tilespmem:s13+$0xFFFFFED0];
	s15 =	sor.u32 s11, s8;
	v20 =	vbroadcast v4, $0xD;
	v22 =	vmul.f32 v59, v62  }
0xa0: {  	v2 =	vld [tilespmem:s15+$0x640];
	v10 =	vmul.f32 v57, v62;
	v5 =	vadd.f32 v18, v5;
	v3 =	vadd.f32 v8, v3  }
0xa1: {  	v25 =	vld [tilespmem:s13+$0xFFFFFEC0];
	v24 =	vbroadcast v4, $0xE;
	v26 =	vmul.f32 v63, v20  }
0xa2: {  	v27 =	vld [tilespmem:s13+$0xFFFFFEF0];
	v7 =	vmul.f32 v61, v20;
	v5 =	vadd.f32 v22, v5;
	v3 =	vadd.f32 v10, v3  }
0xa3: {  	v4 =	vbroadcast v4, $0xF;
	v29 =	vmul.f32 v21, v24;
	v28 =	vld [tilespmem:s13+$0xFFFFFEE0]  }
0xa4: {  	v32 =	vld [tilespmem:s13+$0xFFFFFF00];
	v9 =	vmul.f32 v19, v24;
	v5 =	vadd.f32 v26, v5;
	v3 =	vadd.f32 v7, v3  }
0xa5: {  	v30 =	vld [tilespmem:s13+$0xFFFFFF10];
	v31 =	vbroadcast v2, $0x0;
	v8 =	vmul.f32 v23, v4  }
0xa6: {  	v33 =	vld [tilespmem:s13+$0xFFFFFF30];
	v4 =	vmul.f32 v25, v4;
	v5 =	vadd.f32 v29, v5;
	v3 =	vadd.f32 v9, v3  }
0xa7: {  	v35 =	vbroadcast v2, $0x1;
	v34 =	vmul.f32 v27, v31;
	v36 =	vld [tilespmem:s13+$0xFFFFFF20]  }
0xa8: {  	v37 =	vmul.f32 v28, v31;
	v40 =	vld [tilespmem:s13+$0xFFFFFF40];
	v4 =	vadd.f32 v4, v5;
	v3 =	vadd.f32 v8, v3  }
0xa9: {  	v39 =	vbroadcast v2, $0x2;
	v38 =	vld [tilespmem:s13+$0xFFFFFF50];
	v41 =	vmul.f32 v32, v35  }
0xaa: {  	v44 =	vld [tilespmem:s13+$0xFFFFFF60];
	v7 =	vmul.f32 v30, v35;
	v4 =	vadd.f32 v37, v4;
	v3 =	vadd.f32 v34, v3  }
0xab: {  	v43 =	vbroadcast v2, $0x3;
	v42 =	vld [tilespmem:s13+$0xFFFFFF70];
	v6 =	vmul.f32 v33, v39  }
0xac: {  	v45 =	vmul.f32 v36, v39;
	v48 =	vld [tilespmem:s13+$0xFFFFFF80];
	v4 =	vadd.f32 v41, v4;
	v3 =	vadd.f32 v7, v3  }
0xad: {  	v47 =	vbroadcast v2, $0x4;
	v46 =	vld [tilespmem:s13+$0xFFFFFF90];
	v49 =	vmul.f32 v40, v43  }
0xae: {  	v52 =	vld [tilespmem:s13+$0xFFFFFFA0];
	v8 =	vmul.f32 v38, v43;
	v4 =	vadd.f32 v45, v4;
	v3 =	vadd.f32 v6, v3  }
0xaf: {  	v51 =	vbroadcast v2, $0x5;
	v50 =	vld [tilespmem:s13+$0xFFFFFFB0];
	v53 =	vmul.f32 v44, v47  }
0xb0: {  	v56 =	vld [tilespmem:s13+$0xFFFFFFC0];
	v9 =	vmul.f32 v42, v47;
	v4 =	vadd.f32 v49, v4;
	v3 =	vadd.f32 v8, v3  }
0xb1: {  	v55 =	vbroadcast v2, $0x6;
	v54 =	vld [tilespmem:s13+$0xFFFFFFD0];
	v57 =	vmul.f32 v48, v51  }
0xb2: {  	v60 =	vld [tilespmem:s13+$0xFFFFFFE0];
	v7 =	vmul.f32 v46, v51;
	v4 =	vadd.f32 v53, v4;
	v3 =	vadd.f32 v9, v3  }
0xb3: {  	v59 =	vbroadcast v2, $0x7;
	v58 =	vld [tilespmem:s13+$0xFFFFFFF0];
	v61 =	vmul.f32 v52, v55  }
0xb4: {  	v16 =	vld [tilespmem:s13+$0x0];
	v6 =	vmul.f32 v50, v55;
	v4 =	vadd.f32 v57, v4;
	v3 =	vadd.f32 v7, v3  }
0xb5: {  	v63 =	vbroadcast v2, $0x8;
	v62 =	vld [tilespmem:s13+$0x10];
	v17 =	vmul.f32 v56, v59  }
0xb6: {  	v20 =	vld [tilespmem:s13+$0x20];
	v8 =	vmul.f32 v54, v59;
	v4 =	vadd.f32 v61, v4;
	v3 =	vadd.f32 v6, v3  }
0xb7: {  	v19 =	vbroadcast v2, $0x9;
	v18 =	vld [tilespmem:s13+$0x30];
	v21 =	vmul.f32 v60, v63  }
0xb8: {  	v24 =	vld [tilespmem:s13+$0x40];
	v9 =	vmul.f32 v58, v63;
	v4 =	vadd.f32 v17, v4;
	v3 =	vadd.f32 v8, v3  }
0xb9: {  	v23 =	vbroadcast v2, $0xA;
	v25 =	vmul.f32 v16, v19;
	v22 =	vld [tilespmem:s13+$0x50]  }
0xba: {  	v28 =	vld [tilespmem:s13+$0x60];
	v7 =	vmul.f32 v62, v19;
	v4 =	vadd.f32 v21, v4;
	v3 =	vadd.f32 v9, v3  }
0xbb: {  	v27 =	vbroadcast v2, $0xB;
	v26 =	vld [tilespmem:s13+$0x70];
	v29 =	vmul.f32 v20, v23  }
0xbc: {  	v32 =	vld [tilespmem:s13+$0x80];
	v6 =	vmul.f32 v18, v23;
	v4 =	vadd.f32 v25, v4;
	v3 =	vadd.f32 v7, v3  }
0xbd: {  	v31 =	vbroadcast v2, $0xC;
	v33 =	vmul.f32 v24, v27;
	v30 =	vld [tilespmem:s13+$0x90]  }
0xbe: {  	v36 =	vld [tilespmem:s13+$0xA0];
	v8 =	vmul.f32 v22, v27;
	v4 =	vadd.f32 v29, v4;
	v3 =	vadd.f32 v6, v3  }
0xbf: {  	v35 =	vbroadcast v2, $0xD;
	v34 =	vld [tilespmem:s13+$0xB0];
	v37 =	vmul.f32 v28, v31  }
0xc0: {  	v38 =	vld [tilespmem:s13+$0xD0];
	v9 =	vmul.f32 v26, v31;
	v4 =	vadd.f32 v33, v4;
	v3 =	vadd.f32 v8, v3  }
0xc1: {  	v39 =	vbroadcast v2, $0xE;
	v40 =	vld [tilespmem:s13+$0xC0];
	v41 =	vmul.f32 v32, v35  }
0xc2: {  	v43 =	vld [tilespmem:s13+$0xE0];
	v7 =	vmul.f32 v30, v35;
	v4 =	vadd.f32 v37, v4;
	v3 =	vadd.f32 v9, v3  }
0xc3: {  	v44 =	vmul.f32 v36, v39;
	v2 =	vbroadcast v2, $0xF;
	v42 =	vld [tilespmem:s13+$0xF0]  }
0xc4: {  	v47 =	vld [tilespmem:s13+$0x100];
	v6 =	vmul.f32 v34, v39;
	v4 =	vadd.f32 v41, v4;
	v3 =	vadd.f32 v7, v3  }
0xc5: {  	v46 =	vbroadcast v1, $0x0;
	v45 =	vld [tilespmem:s13+$0x110];
	v8 =	vmul.f32 v38, v2  }
0xc6: {  	v48 =	vld [tilespmem:s13+$0x130];
	v2 =	vmul.f32 v40, v2;
	v4 =	vadd.f32 v44, v4;
	v3 =	vadd.f32 v6, v3  }
0xc7: {  	v51 =	vld [tilespmem:s13+$0x120];
	v50 =	vbroadcast v1, $0x1;
	v52 =	vmul.f32 v43, v46  }
0xc8: {  	v55 =	vld [tilespmem:s13+$0x140];
	v49 =	vmul.f32 v42, v46;
	v2 =	vadd.f32 v2, v4;
	v3 =	vadd.f32 v8, v3  }
0xc9: {  	v54 =	vbroadcast v1, $0x2;
	v56 =	vmul.f32 v47, v50;
	v53 =	vld [tilespmem:s13+$0x150]  }
0xca: {  	v59 =	vld [tilespmem:s13+$0x160];
	v7 =	vmul.f32 v45, v50;
	v2 =	vadd.f32 v52, v2;
	v3 =	vadd.f32 v49, v3  }
0xcb: {  	v5 =	vmul.f32 v48, v54;
	v58 =	vbroadcast v1, $0x3;
	v57 =	vld [tilespmem:s13+$0x170]  }
0xcc: {  	v60 =	vmul.f32 v51, v54;
	v63 =	vld [tilespmem:s13+$0x180];
	v2 =	vadd.f32 v56, v2;
	v3 =	vadd.f32 v7, v3  }
0xcd: {  	v62 =	vbroadcast v1, $0x4;
	v15 =	vmul.f32 v55, v58;
	v61 =	vld [tilespmem:s13+$0x190]  }
0xce: {  	v18 =	vld [tilespmem:s13+$0x1A0];
	v8 =	vmul.f32 v53, v58;
	v2 =	vadd.f32 v60, v2;
	v3 =	vadd.f32 v5, v3  }
0xcf: {  	v16 =	vld [tilespmem:s13+$0x1B0];
	v19 =	vmul.f32 v59, v62;
	v17 =	vbroadcast v1, $0x5  }
0xd0: {  	v22 =	vld [tilespmem:s13+$0x1C0];
	v6 =	vmul.f32 v57, v62;
	v2 =	vadd.f32 v15, v2;
	v3 =	vadd.f32 v8, v3  }
0xd1: {  	v20 =	vld [tilespmem:s13+$0x1D0];
	v21 =	vbroadcast v1, $0x6;
	v23 =	vmul.f32 v63, v17  }
0xd2: {  	v26 =	vld [tilespmem:s13+$0x1E0];
	v7 =	vmul.f32 v61, v17;
	v2 =	vadd.f32 v19, v2;
	v3 =	vadd.f32 v6, v3  }
0xd3: {  	v24 =	vld [tilespmem:s13+$0x1F0];
	v25 =	vbroadcast v1, $0x7;
	v27 =	vmul.f32 v18, v21  }
0xd4: {  	v30 =	vld [tilespmem:s13+$0x200];
	v5 =	vmul.f32 v16, v21;
	v2 =	vadd.f32 v23, v2;
	v3 =	vadd.f32 v7, v3  }
0xd5: {  	v28 =	vld [tilespmem:s13+$0x210];
	v29 =	vbroadcast v1, $0x8;
	v31 =	vmul.f32 v22, v25  }
0xd6: {  	v34 =	vld [tilespmem:s13+$0x220];
	v8 =	vmul.f32 v20, v25;
	v2 =	vadd.f32 v27, v2;
	v3 =	vadd.f32 v5, v3  }
0xd7: {  	v32 =	vld [tilespmem:s13+$0x230];
	v33 =	vbroadcast v1, $0x9;
	v35 =	vmul.f32 v26, v29  }
0xd8: {  	v38 =	vld [tilespmem:s13+$0x240];
	v6 =	vmul.f32 v24, v29;
	v2 =	vadd.f32 v31, v2;
	v3 =	vadd.f32 v8, v3  }
0xd9: {  	v36 =	vld [tilespmem:s13+$0x250];
	v37 =	vbroadcast v1, $0xA;
	v39 =	vmul.f32 v30, v33  }
0xda: {  	v42 =	vld [tilespmem:s13+$0x260];
	v7 =	vmul.f32 v28, v33;
	v2 =	vadd.f32 v35, v2;
	v3 =	vadd.f32 v6, v3  }
0xdb: {  	v40 =	vld [tilespmem:s13+$0x270];
	v41 =	vbroadcast v1, $0xB;
	v43 =	vmul.f32 v34, v37  }
0xdc: {  	v46 =	vld [tilespmem:s13+$0x280];
	v5 =	vmul.f32 v32, v37;
	v2 =	vadd.f32 v39, v2;
	v3 =	vadd.f32 v7, v3  }
0xdd: {  	v45 =	vbroadcast v1, $0xC;
	v44 =	vld [tilespmem:s13+$0x290];
	v47 =	vmul.f32 v38, v41  }
0xde: {  	v50 =	vld [tilespmem:s13+$0x2A0];
	v8 =	vmul.f32 v36, v41;
	v2 =	vadd.f32 v43, v2;
	v3 =	vadd.f32 v5, v3  }
0xdf: {  	v48 =	vld [tilespmem:s13+$0x2B0];
	v51 =	vmul.f32 v42, v45;
	v49 =	vbroadcast v1, $0xD  }
0xe0: {  	v52 =	vld [tilespmem:s13+$0x2D0];
	v6 =	vmul.f32 v40, v45;
	v2 =	vadd.f32 v47, v2;
	v3 =	vadd.f32 v8, v3  }
0xe1: {  	v54 =	vld [tilespmem:s13+$0x2C0];
	v53 =	vbroadcast v1, $0xE;
	v55 =	vmul.f32 v46, v49  }
0xe2: {  	v56 =	vld [tilespmem:s13+$0x2F0];
	v7 =	vmul.f32 v44, v49;
	v2 =	vadd.f32 v51, v2;
	v3 =	vadd.f32 v6, v3  }
0xe3: {  	v57 =	vld [tilespmem:s13+$0x2E0];
	v1 =	vbroadcast v1, $0xF;
	v58 =	vmul.f32 v50, v53  }
0xe4: {  	v59 =	vld [tilespmem:s13+$0x310];
	v5 =	vmul.f32 v48, v53;
	v2 =	vadd.f32 v55, v2;
	v3 =	vadd.f32 v7, v3  }
0xe5: {  	v61 =	vld [tilespmem:s13+$0x300];
	v60 =	vbroadcast v0, $0x0;
	v8 =	vmul.f32 v52, v1  }
0xe6: {  	v1 =	vmul.f32 v54, v1;
	v2 =	vadd.f32 v58, v2;
	v3 =	vadd.f32 v5, v3  }
0xe7: {  	v0 =	vbroadcast v0, $0x1;
	v62 =	vmul.f32 v56, v60  }
0xe8: {  	v1 =	vadd.f32 v1, v2;
	v2 =	vadd.f32 v8, v3;
	v3 =	vmul.f32 v57, v60  }
0xe9: {  	v63 =	vmul.f32 v59, v0  }
0xea: {  	v0 =	vmul.f32 v61, v0;
	v1 =	vadd.f32 v3, v1;
	v2 =	vadd.f32 v62, v2  }
0xeb: {  	s31 =	simm.s32 $0xD4C0;
	s0 =	simm.s32 $0xD4A0  }
0xec: {  	s30 =	simm.s32 $0x672;
	s2 =	simm.s32 $0x15F0;
	s8 =	simm.s32 $0x62;
	v1 =	vadd.f32 v0, v1;
	v0 =	vadd.f32 v63, v2  }
.LBB2_3:
0xed: {  	s12 =	sadd.s32 $0xFFFFFFD0, s8  }
0xee: {  	s13 =	sadd.s32 $0xFFFFFFF0, s8;
	[tilespmem:s0+$0xFFFFFFF0] =	vst v1;
	s14 =	smov.u32 s8;
	s11 =	sadd.s32 $0x32, s8  }
0xef: {  	s12 =	sand.u32 $0x6, s12;
	s13 =	sand.u32 $0xFF8, s13;
	s15 =	sand.u32 $0xFF8, s14;
	[tilespmem:s0+$0x0] =	vst v0  }
0xf0: {  	p0 =	sne.s32 s8, $0x63E;
	v4 =	vld [tilespmem:s2+$0xFFFFFCF0];
	s13 =	sor.u32 s12, s13;
	s0 =	sor.u32 s12, s15  }
0xf1: {  	s8 =	sadd.s32 $0xFFFFFFE0, s14;
	v0 =	vld [tilespmem:s0+$0x640];
	s0 =	smov.u32 s31  }
0xf2: {  	s8 =	sand.u32 $0xFF8, s8;
	v1 =	vld [tilespmem:s13+$0x640]  }
0xf3: {  	s8 =	sor.u32 s12, s8;
	v3 =	vld [tilespmem:s30+$0x0]  }
0xf4: {  	v2 =	vld [tilespmem:s8+$0x640]  }
0xf5: {  	v5 =	vld [tilespmem:s2+$0xFFFFFCE0]  }
0xf6: {  	v6 =	vld [tilespmem:s2+$0xFFFFFD10]  }
0xf7: {  	v7 =	vld [tilespmem:s2+$0xFFFFFD00]  }
0xf8: {  	v8 =	vbroadcast v3, $0x0;
	v9 =	vbroadcast v3, $0x1;
	v10 =	vld [tilespmem:s2+$0xFFFFFD30]  }
0xf9: {  	v11 =	vbroadcast v3, $0x2;
	v12 =	vld [tilespmem:s2+$0xFFFFFD20]  }
0xfa: {  	v5 =	vmul.f32 v5, v8;
	v4 =	vmul.f32 v4, v8;
	v8 =	vld [tilespmem:s2+$0xFFFFFD50]  }
0xfb: {  	v6 =	vmul.f32 v6, v9;
	v13 =	vld [tilespmem:s2+$0xFFFFFD40]  }
0xfc: {  	v5 =	vadd.f32 $0.0e+00, v5;
	v4 =	vadd.f32 $0.0e+00, v4;
	v7 =	vmul.f32 v7, v9;
	v9 =	vld [tilespmem:s2+$0xFFFFFD70]  }
0xfd: {  	v14 =	vbroadcast v3, $0x3;
	v10 =	vmul.f32 v10, v11;
	v15 =	vld [tilespmem:s2+$0xFFFFFD60]  }
0xfe: {  	v5 =	vadd.f32 v7, v5;
	v4 =	vadd.f32 v6, v4;
	v6 =	vmul.f32 v12, v11;
	v7 =	vld [tilespmem:s2+$0xFFFFFD90]  }
0xff: {  	v11 =	vbroadcast v3, $0x4;
	v8 =	vmul.f32 v8, v14;
	v12 =	vld [tilespmem:s2+$0xFFFFFD80]  }
0x100: {  	v5 =	vadd.f32 v6, v5;
	v4 =	vadd.f32 v10, v4;
	v6 =	vmul.f32 v13, v14;
	v10 =	vld [tilespmem:s2+$0xFFFFFDB0]  }
0x101: {  	v13 =	vbroadcast v3, $0x5;
	v9 =	vmul.f32 v9, v11;
	v14 =	vld [tilespmem:s2+$0xFFFFFDA0]  }
0x102: {  	v5 =	vadd.f32 v6, v5;
	v4 =	vadd.f32 v8, v4;
	v6 =	vmul.f32 v15, v11;
	v8 =	vld [tilespmem:s2+$0xFFFFFDD0]  }
0x103: {  	v11 =	vbroadcast v3, $0x6;
	v7 =	vmul.f32 v7, v13;
	v15 =	vld [tilespmem:s2+$0xFFFFFDC0]  }
0x104: {  	v5 =	vadd.f32 v6, v5;
	v4 =	vadd.f32 v9, v4;
	v6 =	vmul.f32 v12, v13;
	v9 =	vld [tilespmem:s2+$0xFFFFFDF0]  }
0x105: {  	v12 =	vbroadcast v3, $0x7;
	v10 =	vmul.f32 v10, v11;
	v13 =	vld [tilespmem:s2+$0xFFFFFDE0]  }
0x106: {  	v5 =	vadd.f32 v6, v5;
	v4 =	vadd.f32 v7, v4;
	v6 =	vmul.f32 v14, v11;
	v7 =	vld [tilespmem:s2+$0xFFFFFE10]  }
0x107: {  	v11 =	vbroadcast v3, $0x8;
	v8 =	vmul.f32 v8, v12;
	v14 =	vld [tilespmem:s2+$0xFFFFFE00]  }
0x108: {  	v5 =	vadd.f32 v6, v5;
	v4 =	vadd.f32 v10, v4;
	v6 =	vmul.f32 v15, v12;
	v10 =	vld [tilespmem:s2+$0xFFFFFE30]  }
0x109: {  	v12 =	vbroadcast v3, $0x9;
	v9 =	vmul.f32 v9, v11;
	v15 =	vld [tilespmem:s2+$0xFFFFFE20]  }
0x10a: {  	v5 =	vadd.f32 v6, v5;
	v4 =	vadd.f32 v8, v4;
	v6 =	vmul.f32 v13, v11;
	v8 =	vld [tilespmem:s2+$0xFFFFFE50]  }
0x10b: {  	v11 =	vbroadcast v3, $0xA;
	v7 =	vmul.f32 v7, v12;
	v13 =	vld [tilespmem:s2+$0xFFFFFE40]  }
0x10c: {  	v5 =	vadd.f32 v6, v5;
	v4 =	vadd.f32 v9, v4;
	v6 =	vmul.f32 v14, v12;
	v9 =	vld [tilespmem:s2+$0xFFFFFE70]  }
0x10d: {  	v12 =	vbroadcast v3, $0xB;
	v10 =	vmul.f32 v10, v11;
	v14 =	vld [tilespmem:s2+$0xFFFFFE60]  }
0x10e: {  	v5 =	vadd.f32 v6, v5;
	v4 =	vadd.f32 v7, v4;
	v6 =	vmul.f32 v15, v11;
	v7 =	vld [tilespmem:s2+$0xFFFFFE90]  }
0x10f: {  	v11 =	vbroadcast v3, $0xC;
	v8 =	vmul.f32 v8, v12;
	v15 =	vld [tilespmem:s2+$0xFFFFFE80]  }
0x110: {  	v5 =	vadd.f32 v6, v5;
	v4 =	vadd.f32 v10, v4;
	v6 =	vmul.f32 v13, v12;
	v10 =	vld [tilespmem:s2+$0xFFFFFEB0]  }
0x111: {  	v12 =	vbroadcast v3, $0xD;
	v9 =	vmul.f32 v9, v11;
	v13 =	vld [tilespmem:s2+$0xFFFFFEA0]  }
0x112: {  	v5 =	vadd.f32 v6, v5;
	v4 =	vadd.f32 v8, v4;
	v6 =	vmul.f32 v14, v11;
	v8 =	vld [tilespmem:s2+$0xFFFFFED0]  }
0x113: {  	v11 =	vbroadcast v3, $0xE;
	v7 =	vmul.f32 v7, v12;
	v14 =	vld [tilespmem:s2+$0xFFFFFEC0]  }
0x114: {  	v5 =	vadd.f32 v6, v5;
	v4 =	vadd.f32 v9, v4;
	v6 =	vmul.f32 v15, v12;
	v9 =	vld [tilespmem:s2+$0xFFFFFEF0]  }
0x115: {  	v3 =	vbroadcast v3, $0xF;
	v10 =	vmul.f32 v10, v11;
	v12 =	vld [tilespmem:s2+$0xFFFFFEE0]  }
0x116: {  	v5 =	vadd.f32 v6, v5;
	v4 =	vadd.f32 v7, v4;
	v6 =	vmul.f32 v13, v11;
	v7 =	vld [tilespmem:s2+$0xFFFFFF10]  }
0x117: {  	v11 =	vbroadcast v2, $0x0;
	v8 =	vmul.f32 v8, v3;
	v13 =	vld [tilespmem:s2+$0xFFFFFF00]  }
0x118: {  	v5 =	vadd.f32 v6, v5;
	v4 =	vadd.f32 v10, v4;
	v3 =	vmul.f32 v14, v3;
	v6 =	vld [tilespmem:s2+$0xFFFFFF30]  }
0x119: {  	v10 =	vbroadcast v2, $0x1;
	v9 =	vmul.f32 v9, v11;
	v14 =	vld [tilespmem:s2+$0xFFFFFF20]  }
0x11a: {  	v3 =	vadd.f32 v3, v5;
	v4 =	vadd.f32 v8, v4;
	v5 =	vmul.f32 v12, v11;
	v8 =	vld [tilespmem:s2+$0xFFFFFF50]  }
0x11b: {  	v11 =	vbroadcast v2, $0x2;
	v7 =	vmul.f32 v7, v10;
	v12 =	vld [tilespmem:s2+$0xFFFFFF40]  }
0x11c: {  	v3 =	vadd.f32 v5, v3;
	v4 =	vadd.f32 v9, v4;
	v5 =	vmul.f32 v13, v10;
	v9 =	vld [tilespmem:s2+$0xFFFFFF70]  }
0x11d: {  	v10 =	vbroadcast v2, $0x3;
	v6 =	vmul.f32 v6, v11;
	v13 =	vld [tilespmem:s2+$0xFFFFFF60]  }
0x11e: {  	v3 =	vadd.f32 v5, v3;
	v4 =	vadd.f32 v7, v4;
	v5 =	vmul.f32 v14, v11;
	v7 =	vld [tilespmem:s2+$0xFFFFFF90]  }
0x11f: {  	v11 =	vbroadcast v2, $0x4;
	v8 =	vmul.f32 v8, v10;
	v14 =	vld [tilespmem:s2+$0xFFFFFF80]  }
0x120: {  	v3 =	vadd.f32 v5, v3;
	v4 =	vadd.f32 v6, v4;
	v5 =	vmul.f32 v12, v10;
	v6 =	vld [tilespmem:s2+$0xFFFFFFB0]  }
0x121: {  	v10 =	vbroadcast v2, $0x5;
	v9 =	vmul.f32 v9, v11;
	v12 =	vld [tilespmem:s2+$0xFFFFFFA0]  }
0x122: {  	v3 =	vadd.f32 v5, v3;
	v4 =	vadd.f32 v8, v4;
	v5 =	vmul.f32 v13, v11;
	v8 =	vld [tilespmem:s2+$0xFFFFFFD0]  }
0x123: {  	v11 =	vbroadcast v2, $0x6;
	v7 =	vmul.f32 v7, v10;
	v13 =	vld [tilespmem:s2+$0xFFFFFFC0]  }
0x124: {  	v3 =	vadd.f32 v5, v3;
	v4 =	vadd.f32 v9, v4;
	v5 =	vmul.f32 v14, v10;
	v9 =	vld [tilespmem:s2+$0xFFFFFFF0]  }
0x125: {  	v10 =	vbroadcast v2, $0x7;
	v6 =	vmul.f32 v6, v11;
	v14 =	vld [tilespmem:s2+$0xFFFFFFE0]  }
0x126: {  	v3 =	vadd.f32 v5, v3;
	v4 =	vadd.f32 v7, v4;
	v5 =	vmul.f32 v12, v11;
	v7 =	vld [tilespmem:s2+$0x10]  }
0x127: {  	v11 =	vbroadcast v2, $0x8;
	v8 =	vmul.f32 v8, v10;
	v12 =	vld [tilespmem:s2+$0x0]  }
0x128: {  	v3 =	vadd.f32 v5, v3;
	v4 =	vadd.f32 v6, v4;
	v5 =	vmul.f32 v13, v10;
	v6 =	vld [tilespmem:s2+$0x30]  }
0x129: {  	v10 =	vbroadcast v2, $0x9;
	v9 =	vmul.f32 v9, v11;
	v13 =	vld [tilespmem:s2+$0x20]  }
0x12a: {  	v3 =	vadd.f32 v5, v3;
	v4 =	vadd.f32 v8, v4;
	v5 =	vmul.f32 v14, v11;
	v8 =	vld [tilespmem:s2+$0x50]  }
0x12b: {  	v11 =	vbroadcast v2, $0xA;
	v7 =	vmul.f32 v7, v10;
	v14 =	vld [tilespmem:s2+$0x40]  }
0x12c: {  	v3 =	vadd.f32 v5, v3;
	v4 =	vadd.f32 v9, v4;
	v5 =	vmul.f32 v12, v10;
	v9 =	vld [tilespmem:s2+$0x70]  }
0x12d: {  	v10 =	vbroadcast v2, $0xB;
	v6 =	vmul.f32 v6, v11;
	v12 =	vld [tilespmem:s2+$0x60]  }
0x12e: {  	v3 =	vadd.f32 v5, v3;
	v4 =	vadd.f32 v7, v4;
	v5 =	vmul.f32 v13, v11;
	v7 =	vld [tilespmem:s2+$0x90]  }
0x12f: {  	v11 =	vbroadcast v2, $0xC;
	v8 =	vmul.f32 v8, v10;
	v13 =	vld [tilespmem:s2+$0x80]  }
0x130: {  	v3 =	vadd.f32 v5, v3;
	v4 =	vadd.f32 v6, v4;
	v5 =	vmul.f32 v14, v10;
	v6 =	vld [tilespmem:s2+$0xB0]  }
0x131: {  	v10 =	vbroadcast v2, $0xD;
	v9 =	vmul.f32 v9, v11;
	v14 =	vld [tilespmem:s2+$0xA0]  }
0x132: {  	v3 =	vadd.f32 v5, v3;
	v4 =	vadd.f32 v8, v4;
	v5 =	vmul.f32 v12, v11;
	v8 =	vld [tilespmem:s2+$0xD0]  }
0x133: {  	v11 =	vbroadcast v2, $0xE;
	v7 =	vmul.f32 v7, v10;
	v12 =	vld [tilespmem:s2+$0xC0]  }
0x134: {  	v3 =	vadd.f32 v5, v3;
	v4 =	vadd.f32 v9, v4;
	v5 =	vmul.f32 v13, v10;
	v9 =	vld [tilespmem:s2+$0xF0]  }
0x135: {  	v2 =	vbroadcast v2, $0xF;
	v6 =	vmul.f32 v6, v11;
	v10 =	vld [tilespmem:s2+$0xE0]  }
0x136: {  	v3 =	vadd.f32 v5, v3;
	v4 =	vadd.f32 v7, v4;
	v5 =	vmul.f32 v14, v11;
	v7 =	vld [tilespmem:s2+$0x110]  }
0x137: {  	v11 =	vbroadcast v1, $0x0;
	v8 =	vmul.f32 v8, v2;
	v13 =	vld [tilespmem:s2+$0x100]  }
0x138: {  	v3 =	vadd.f32 v5, v3;
	v4 =	vadd.f32 v6, v4;
	v2 =	vmul.f32 v12, v2;
	v5 =	vld [tilespmem:s2+$0x130]  }
0x139: {  	v6 =	vmul.f32 v9, v11;
	v9 =	vbroadcast v1, $0x1;
	v12 =	vld [tilespmem:s2+$0x120]  }
0x13a: {  	v2 =	vadd.f32 v2, v3;
	v3 =	vadd.f32 v8, v4;
	v4 =	vmul.f32 v10, v11;
	v8 =	vld [tilespmem:s2+$0x150]  }
0x13b: {  	v10 =	vbroadcast v1, $0x2;
	v7 =	vmul.f32 v7, v9;
	v11 =	vld [tilespmem:s2+$0x140]  }
0x13c: {  	v2 =	vadd.f32 v4, v2;
	v3 =	vadd.f32 v6, v3;
	v4 =	vmul.f32 v13, v9;
	v6 =	vld [tilespmem:s2+$0x170]  }
0x13d: {  	v9 =	vbroadcast v1, $0x3;
	v5 =	vmul.f32 v5, v10;
	v13 =	vld [tilespmem:s2+$0x160]  }
0x13e: {  	v2 =	vadd.f32 v4, v2;
	v3 =	vadd.f32 v7, v3;
	v4 =	vmul.f32 v12, v10;
	v7 =	vld [tilespmem:s2+$0x190]  }
0x13f: {  	v10 =	vbroadcast v1, $0x4;
	v8 =	vmul.f32 v8, v9;
	v12 =	vld [tilespmem:s2+$0x180]  }
0x140: {  	v2 =	vadd.f32 v4, v2;
	v3 =	vadd.f32 v5, v3;
	v4 =	vmul.f32 v11, v9;
	v5 =	vld [tilespmem:s2+$0x1B0]  }
0x141: {  	v9 =	vbroadcast v1, $0x5;
	v6 =	vmul.f32 v6, v10;
	v11 =	vld [tilespmem:s2+$0x1A0]  }
0x142: {  	v2 =	vadd.f32 v4, v2;
	v3 =	vadd.f32 v8, v3;
	v4 =	vmul.f32 v13, v10;
	v8 =	vld [tilespmem:s2+$0x1D0]  }
0x143: {  	v10 =	vbroadcast v1, $0x6;
	v7 =	vmul.f32 v7, v9;
	v13 =	vld [tilespmem:s2+$0x1C0]  }
0x144: {  	v2 =	vadd.f32 v4, v2;
	v3 =	vadd.f32 v6, v3;
	v4 =	vmul.f32 v12, v9;
	v6 =	vld [tilespmem:s2+$0x1F0]  }
0x145: {  	v9 =	vbroadcast v1, $0x7;
	v5 =	vmul.f32 v5, v10;
	v12 =	vld [tilespmem:s2+$0x1E0]  }
0x146: {  	v2 =	vadd.f32 v4, v2;
	v3 =	vadd.f32 v7, v3;
	v4 =	vmul.f32 v11, v10;
	v7 =	vld [tilespmem:s2+$0x210]  }
0x147: {  	v10 =	vbroadcast v1, $0x8;
	v8 =	vmul.f32 v8, v9;
	v11 =	vld [tilespmem:s2+$0x200]  }
0x148: {  	v2 =	vadd.f32 v4, v2;
	v3 =	vadd.f32 v5, v3;
	v4 =	vmul.f32 v13, v9;
	v5 =	vld [tilespmem:s2+$0x230]  }
0x149: {  	v9 =	vbroadcast v1, $0x9;
	v6 =	vmul.f32 v6, v10;
	v13 =	vld [tilespmem:s2+$0x220]  }
0x14a: {  	v2 =	vadd.f32 v4, v2;
	v3 =	vadd.f32 v8, v3;
	v4 =	vmul.f32 v12, v10;
	v8 =	vld [tilespmem:s2+$0x250]  }
0x14b: {  	v10 =	vbroadcast v1, $0xA;
	v7 =	vmul.f32 v7, v9;
	v12 =	vld [tilespmem:s2+$0x240]  }
0x14c: {  	v2 =	vadd.f32 v4, v2;
	v3 =	vadd.f32 v6, v3;
	v4 =	vmul.f32 v11, v9;
	v6 =	vld [tilespmem:s2+$0x270]  }
0x14d: {  	v9 =	vbroadcast v1, $0xB;
	v5 =	vmul.f32 v5, v10;
	v11 =	vld [tilespmem:s2+$0x260]  }
0x14e: {  	v2 =	vadd.f32 v4, v2;
	v3 =	vadd.f32 v7, v3;
	v4 =	vmul.f32 v13, v10;
	v7 =	vld [tilespmem:s2+$0x290]  }
0x14f: {  	v10 =	vbroadcast v1, $0xC;
	v8 =	vmul.f32 v8, v9;
	v13 =	vld [tilespmem:s2+$0x280]  }
0x150: {  	v2 =	vadd.f32 v4, v2;
	v3 =	vadd.f32 v5, v3;
	v4 =	vmul.f32 v12, v9;
	v5 =	vld [tilespmem:s2+$0x2B0]  }
0x151: {  	v9 =	vbroadcast v1, $0xD;
	v6 =	vmul.f32 v6, v10;
	v12 =	vld [tilespmem:s2+$0x2A0]  }
0x152: {  	v2 =	vadd.f32 v4, v2;
	v3 =	vadd.f32 v8, v3;
	v4 =	vmul.f32 v11, v10;
	v8 =	vld [tilespmem:s2+$0x2D0]  }
0x153: {  	v10 =	vbroadcast v1, $0xE;
	v7 =	vmul.f32 v7, v9;
	v11 =	vld [tilespmem:s2+$0x2C0]  }
0x154: {  	v2 =	vadd.f32 v4, v2;
	v3 =	vadd.f32 v6, v3;
	v4 =	vmul.f32 v13, v9;
	v6 =	vld [tilespmem:s2+$0x2F0]  }
0x155: {  	v1 =	vbroadcast v1, $0xF;
	v5 =	vmul.f32 v5, v10;
	v9 =	vld [tilespmem:s2+$0x2E0]  }
0x156: {  	v2 =	vadd.f32 v4, v2;
	v3 =	vadd.f32 v7, v3;
	v4 =	vmul.f32 v12, v10;
	v7 =	vld [tilespmem:s2+$0x310]  }
0x157: {  	v10 =	vbroadcast v0, $0x0;
	v8 =	vmul.f32 v8, v1;
	v12 =	vld [tilespmem:s2+$0x300]  }
0x158: {  	v2 =	vadd.f32 v4, v2;
	v3 =	vadd.f32 v5, v3;
	v1 =	vmul.f32 v11, v1  }
0x159: {  	v0 =	vbroadcast v0, $0x1;
	v4 =	vmul.f32 v6, v10  }
0x15a: {  	v1 =	vadd.f32 v1, v2;
	v2 =	vadd.f32 v8, v3;
	v3 =	vmul.f32 v9, v10  }
.Ltmp0:
0x15b: {  	v5 =	vmul.f32 v7, v0;
	(pc) =	sbr.rel @p0 .LBB2_3-.Ltmp0, $3  }
0x15c: {  	v1 =	vadd.f32 v3, v1;
	v2 =	vadd.f32 v4, v2;
	v0 =	vmul.f32 v12, v0;
	_ =	sdelay $0x1  }
0x15d: {  	s31 =	sadd.s32 $0x20, s31;
	v1 =	vadd.f32 v0, v1;
	v0 =	vadd.f32 v5, v2  }
0x15e: {  	s30 =	sadd.s32 $0x32, s30;
	s8 =	smov.u32 s11;
	s2 =	sadd.s32 $0x640, s2  }
0x15f: {  	s2 =	sshll.u32 s29, $0x7;
	s29 =	sadd.s32 $0x1, s29  }
0x160: {  	[tilespmem:s0+$0xFFFFFFF0] =	vst v1;
	p0 =	sne.s32 s29, $0x10  }
.Ltmp1:
0x161: {  	[tilespmem:s0+$0x0] =	vst v0;
	s31 =	sadd.s32 s2, s7;
	(pc) =	sbr.rel @p0 .LBB2_2-.Ltmp1, $4  }
0x162: {  	[hbm4b:s31+s1] =	stream.linear.scatter [tilespmem:s28], [sflag:$0x2], $0x400, $0x38;
	[tilespmem:$0xD890] =	vst v63  }
0x163: {  	_ =	swait.ge [sflag:s9], $0x400  }
0x164: {  	[sflag:s9] =	ssyncset.done $0x0  }
0x165: {  	[sflag:s9] =	ssyncadd.s32 $0xFFFFFC00  }
0x166: {  	s2 =	rddreg [dreg:$0x4]  }
0x167: {  	s0 =	rddreg [dreg:$0x3];
	s2 =	sadd.s32 $0x1, s2  }
0x168: {  	p0 =	sne.s32 s2, s0  }
.Ltmp2:
0x169: {  	_ = 	snop;
	(pc) =	sbr.rel @p0 .LBB2_1-.Ltmp2, $1  }
0x16a: {  	_ =	sdelay $0x3  }
0x16b: {  	_ =	sfence.sel $0x180000  }
0x16c: {  	[bflag:$0x0] =	sbarrier.arrive $0xFFFF  }
0x16d: {  	_ =	strace $0x90000047  }
0x16e: {  	s0 =	stileid.u32;
	[bflag:$0x2] =	sbarrier.arrive $0xFFFF  }
0x16f: {  	p0 =	sne.s32 s0, $0x0;
	s0 =	rddreg [dreg:$0x2]  }
0x170: {  	s0 =	sadd.s32 @!p0 $0x100000, s0  }
0x171: {  	[sflag:s0] =	ssyncadd.tile.s32 @!p0 $0x1;
	_ =	shalt  }
.Lfunc_end2:
_tile_overlayer_lowered:
.L_overlay_start_2:
0x172: {  	(tag) =	ssettag $0x2  }
0x173: {  	s0 =	rddreg [dreg:$0x0];
	s2 =	stileid.u32  }
0x174: {  	s1 =	rddreg [dreg:$0x1];
	p0 =	sne.s32 s2, $0x0  }
0x175: {  	s3 =	rddreg [dreg:$0x2];
	[bflag:$0x3] =	sbarrier.arrive $0xFFFF;
	s2 =	simm.s32 @!p0 $0x1C02  }
0x176: {  	[timem:s3], [sflag:s2] =	dma.local @!p0 [hbm:s0], s1  }
0x177: {  	s0 =	simm.s32 @!p0 $0x2  }
0x178: {  	_ =	swait.ge @!p0 [sflag:s0], s1  }
0x179: {  	s1 =	ssub.s32 @!p0 $0x0, s1;
	[sflag:s0] =	ssyncset.done @!p0 $0x0  }
0x17a: {  	[sflag:s0] =	ssyncadd.s32 @!p0 s1  }
0x17b: {  	[bflag:$0x3] =	sbarrier.arrive $0xFFFF  }
0x17c: {  	_ =	shalt  }

</sc_bundles>
